<compile_context>
chip_gen: v7x
topology: tpu7x:2x2x1
jax: 0.10.2.dev20260603
libtpu: 0.0.44.dev20260713+nightly
codegen_flags: <defaults>
</compile_context>

<pallas_src>
import functools

import jax
import jax.numpy as jnp
from jax import lax
from jax.experimental import pallas as pl
from jax.experimental.pallas import tpu as pltpu
from jax.experimental.pallas import tpu_sc as plsc

B, N_GT, N_FINE = 16, 8192, 2048


def _make_fps(nb, ngt, nfine, interpret=False):
    chunks = ngt // 16

    def _fps_body(gt_hbm, samp_hbm, xv, yv, zv, dv, sx, sy, sz):
        cid = lax.axis_index("c")
        sid = lax.axis_index("s")
        wid = cid * 16 + sid

        @pl.when(wid < nb)
        def _():
            b = wid
            pltpu.sync_copy(gt_hbm.at[pl.ds((b * 3 + 0) * ngt, ngt)], xv)
            pltpu.sync_copy(gt_hbm.at[pl.ds((b * 3 + 1) * ngt, ngt)], yv)
            pltpu.sync_copy(gt_hbm.at[pl.ds((b * 3 + 2) * ngt, ngt)], zv)

            lanes = lax.iota(jnp.int32, 16)
            zeros_i = jnp.zeros((16,), jnp.int32)
            lane0 = lanes == 0
            big = jnp.full((16,), jnp.float32(jnp.inf))
            fzero = jnp.float32(0.0)

            def init_chunk(r, _):
                dv[pl.ds(r * 16, 16)] = big
                return 0

            lax.fori_loop(0, chunks, init_chunk, 0)

            def splat_at(ref, idx):
                base = (idx // 16) * 16
                v = ref[pl.ds(base, 16)]
                sel = lanes == (idx - base)
                return jnp.full((16,), jnp.sum(jnp.where(sel, v, fzero)))

            px = splat_at(xv, jnp.int32(0))
            py = splat_at(yv, jnp.int32(0))
            pz = splat_at(zv, jnp.int32(0))
            pendx = jnp.where(lane0, px, fzero)
            pendy = jnp.where(lane0, py, fzero)
            pendz = jnp.where(lane0, pz, fzero)

            neg = jnp.full((16,), jnp.float32(-jnp.inf))

            def step(j, carry):
                px, py, pz, pendx, pendy, pendz = carry

                @plsc.parallel_loop(0, chunks, step=1, unroll=8,
                                    carry=(neg, zeros_i))
                def chunk(r, c2):
                    bv, bi = c2
                    sl = pl.ds(r * 16, 16)
                    dx = xv[sl] - px
                    dy = yv[sl] - py
                    dz = zv[sl] - pz
                    d = (dx * dx + dy * dy) + dz * dz
                    dn = jnp.minimum(dv[sl], d)
                    dv[sl] = dn
                    upd = dn > bv
                    bv = jnp.where(upd, dn, bv)
                    bi = jnp.where(upd, lanes + r * 16, bi)
                    return bv, bi

                bv, bi = chunk
                m = jnp.max(bv)
                cand = jnp.where(bv == m, bi, jnp.int32(2**30))
                nxt = jnp.min(cand)
                npx = splat_at(xv, nxt)
                npy = splat_at(yv, nxt)
                npz = splat_at(zv, nxt)
                t = j % 16
                put = lanes == t
                pendx = jnp.where(put, npx, pendx)
                pendy = jnp.where(put, npy, pendy)
                pendz = jnp.where(put, npz, pendz)

                @pl.when(t == 15)
                def _flush():
                    blk = pl.ds((j // 16) * 16, 16)
                    sx[blk] = pendx
                    sy[blk] = pendy
                    sz[blk] = pendz

                return npx, npy, npz, pendx, pendy, pendz

            lax.fori_loop(1, nfine, step, (px, py, pz, pendx, pendy, pendz))

            pltpu.sync_copy(sx, samp_hbm.at[pl.ds((b * 3 + 0) * nfine, nfine)])
            pltpu.sync_copy(sy, samp_hbm.at[pl.ds((b * 3 + 1) * nfine, nfine)])
            pltpu.sync_copy(sz, samp_hbm.at[pl.ds((b * 3 + 2) * nfine, nfine)])

    return functools.partial(
        pl.kernel,
        mesh=plsc.VectorSubcoreMesh(core_axis_name="c", subcore_axis_name="s"),
        out_type=jax.ShapeDtypeStruct((nb * 3 * nfine,), jnp.float32),
        scratch_types=[
            pltpu.VMEM((ngt,), jnp.float32),
            pltpu.VMEM((ngt,), jnp.float32),
            pltpu.VMEM((ngt,), jnp.float32),
            pltpu.VMEM((ngt,), jnp.float32),
            pltpu.VMEM((nfine,), jnp.float32),
            pltpu.VMEM((nfine,), jnp.float32),
            pltpu.VMEM((nfine,), jnp.float32),
        ],
        compiler_params=pltpu.CompilerParams(needs_layout_passes=False),
        interpret=interpret,
    )(_fps_body)


_fps_kernel = _make_fps(B, N_GT, N_FINE)


def kernel(fine, gt_points, x2_d, W1, b1, W2, b2, W3, b3, epoch, is_training):
    gt_T = jnp.transpose(gt_points, (0, 2, 1)).reshape(-1)
    sampled_T = _fps_kernel(gt_T).reshape(B, 3, N_FINE)
    gt_sampled = jnp.transpose(sampled_T, (0, 2, 1))

    fine_t = jnp.transpose(fine, (0, 2, 1))

    a2 = jnp.sum(fine_t * fine_t, axis=-1)
    b2_ = jnp.sum(gt_sampled * gt_sampled, axis=-1)
    d = a2[:, :, None] + b2_[:, None, :] - 2.0 * jnp.einsum(
        'bnd,bmd->bnm', fine_t, gt_sampled)
    d = jnp.maximum(d, 0.0)
    dist1 = jnp.min(d, axis=2)
    confidence_score = jnp.exp(-dist1)

    h = jax.nn.gelu(jnp.einsum('oc,bcn->bon', W1, x2_d) + b1[None, :, None],
                    approximate=False)
    h = jax.nn.gelu(jnp.einsum('oc,bcn->bon', W2, h) + b2[None, :, None],
                    approximate=False)
    pred = jnp.einsum('oc,bcn->bon', W3, h) + b3[None, :, None]
    pred_sq = jnp.squeeze(pred, axis=1)
    confidence_score_loss = jnp.mean((pred_sq - confidence_score) ** 2)

    cs = jnp.where(is_training != 0, confidence_score, pred_sq)
    order = jnp.argsort(-cs, axis=1)
    fine_sorted = jnp.take_along_axis(fine_t, order[:, :, None], axis=1)
    filtered_fine = jnp.where(epoch < 50, fine_t, fine_sorted)
    return (filtered_fine, confidence_score_loss)

# --- scband reference (transcript-rebuilt; emitter-appended) ---
"""Pipeline reference for scband-dynamic-confidence-filter-31971736551635 (READ-ONLY COPY).

The authoritative reference and input builder live on the scoring server;
editing this copy changes nothing except your own understanding.
"""

import jax, jax.numpy as jnp
import numpy as np


def _gelu(x):
    return jax.nn.gelu(x, approximate=False)


def _conv1d_k1(x, W, b):
    # x: (B, C_in, n), W: (C_out, C_in), b: (C_out,)
    return jnp.einsum('oc,bcn->bon', W, x) + b[None, :, None]


def furthest_point_sample(points, n_samples):
    # points: (B, N, 3) -> idx (B, n_samples) int32
    B, N, _ = points.shape
    idxs0 = jnp.zeros((B, n_samples), dtype=jnp.int32)
    first = points[:, 0, :]
    dists0 = jnp.sum((points - first[:, None, :]) ** 2, axis=-1)

    def body(i, state):
        idxs, dists = state
        nxt = jnp.argmax(dists, axis=1).astype(jnp.int32)
        idxs = idxs.at[:, i].set(nxt)
        pt = jnp.take_along_axis(points, nxt[:, None, None], axis=1)[:, 0, :]
        d = jnp.sum((points - pt[:, None, :]) ** 2, axis=-1)
        dists = jnp.minimum(dists, d)
        return (idxs, dists)

    idxs, _ = jax.lax.fori_loop(1, n_samples, body, (idxs0, dists0))
    return idxs


def calc_all_dist(a, b):
    # a: (B, n, 3), b: (B, m, 3) -> squared chamfer components
    a2 = jnp.sum(a * a, axis=-1)
    b2 = jnp.sum(b * b, axis=-1)
    d = a2[:, :, None] + b2[:, None, :] - 2.0 * jnp.einsum('bnd,bmd->bnm', a, b)
    d = jnp.maximum(d, 0.0)
    dist1 = jnp.min(d, axis=2)
    idx1 = jnp.argmin(d, axis=2)
    dist2 = jnp.min(d, axis=1)
    idx2 = jnp.argmin(d, axis=1)
    return dist1, dist2, idx1, idx2


def sort_pc_according_to_conf(fine_pc, conf_score):
    # fine_pc: (B, n, 3), conf_score: (B, n)
    order = jnp.argsort(-conf_score, axis=1)
    fine_sort = jnp.take_along_axis(fine_pc, order[:, :, None], axis=1)
    conf_sorted = jnp.take_along_axis(conf_score, order, axis=1)
    return fine_sort, conf_sorted


def setup_inputs(seed: int = 0) -> dict:
    key = jax.random.key(seed)
    ks = jax.random.split(key, 10)
    B, n, Ngt, Cin, Chid = 16, 2048, 8192, 128, 128
    fine = jax.random.normal(ks[0], (B, 3, n), dtype=jnp.float32)
    gt_points = jax.random.normal(ks[1], (B, Ngt, 3), dtype=jnp.float32)
    x2_d = jax.random.normal(ks[2], (B, Cin, n), dtype=jnp.float32)
    W1 = jax.random.normal(ks[3], (Chid, Cin), dtype=jnp.float32) * 0.05
    b1 = jnp.zeros((Chid,), dtype=jnp.float32)
    W2 = jax.random.normal(ks[4], (Chid, Chid), dtype=jnp.float32) * 0.05
    b2 = jnp.zeros((Chid,), dtype=jnp.float32)
    W3 = jax.random.normal(ks[5], (1, Chid), dtype=jnp.float32) * 0.05
    b3 = jnp.zeros((1,), dtype=jnp.float32)
    return {'fine': fine, 'gt_points': gt_points, 'x2_d': x2_d,
            'W1': W1, 'b1': b1, 'W2': W2, 'b2': b2, 'W3': W3, 'b3': b3,
            'epoch': 150, 'is_training': 1}


def reference(fine, gt_points, x2_d, W1, b1, W2, b2, W3, b3, epoch, is_training):
    n = fine.shape[-1]
    idx = furthest_point_sample(jax.lax.stop_gradient(gt_points), n)
    gt_points_sampled = jnp.take_along_axis(gt_points, idx[:, :, None], axis=1)  # (B, n, 3)
    fine_t = jnp.transpose(fine, (0, 2, 1))  # (B, n, 3)
    dist1, dist2, idx1, idx2 = calc_all_dist(fine_t, gt_points_sampled)
    confidence_score = jnp.exp(-dist1)  # (B, n)
    h = _gelu(_conv1d_k1(x2_d, W1, b1))
    h = _gelu(_conv1d_k1(h, W2, b2))
    confidence_score_predict = _conv1d_k1(h, W3, b3)  # (B, 1, n)
    pred_sq = jnp.squeeze(confidence_score_predict, axis=1)
    confidence_score_loss = jnp.mean((pred_sq - confidence_score) ** 2)
    cs = jnp.where(is_training != 0, confidence_score, pred_sq)
    fine_sorted, cs_sorted = sort_pc_according_to_conf(fine_t, cs)
    filtered_fine = jnp.where(epoch < 50, fine_t, fine_sorted)
    return (filtered_fine, confidence_score_loss)

if __name__ == "__main__":
    import jax
    _d = setup_inputs()
    print(jax.jit(kernel)(*tuple(_d.values())))

</pallas_src>

<mosaic_0001>
#map = affine_map<(d0, d1) -> (0)>
module attributes {stable_mosaic.version = 14 : i64} {
  func.func @_fps_body(%arg0: i32, %arg1: i32, %arg2: memref<393216xf32, #tpu.memory_space<hbm>>, %arg3: memref<98304xf32, #tpu.memory_space<hbm>>, %arg4: memref<8192xf32, #tpu.memory_space<vmem>>, %arg5: memref<8192xf32, #tpu.memory_space<vmem>>, %arg6: memref<8192xf32, #tpu.memory_space<vmem>>, %arg7: memref<8192xf32, #tpu.memory_space<vmem>>, %arg8: memref<2048xf32, #tpu.memory_space<vmem>>, %arg9: memref<2048xf32, #tpu.memory_space<vmem>>, %arg10: memref<2048xf32, #tpu.memory_space<vmem>>) attributes {dimension_semantics = [#tpu.dimension_semantics<core_parallel>, #tpu.dimension_semantics<subcore_parallel>], iteration_bounds = array<i64: 2, 16>, scalar_prefetch = 0 : i64, scratch_operands = 7 : i64, tpu.core_type = #tpu.core_type<sc_vector_subcore>, window_params = [{transform_indices = #map}, {transform_indices = #map}]} {
    %mul3A = arith.constant 16 : i32
    %mul3A_0 = arith.muli %arg0, %mul3A : i32
    %add3A = arith.addi %mul3A_0, %arg1 : i32
    %lt3A = arith.constant 16 : i32
    %lt3A_1 = arith.cmpi slt, %add3A, %lt3A : i32
    %convert_element_type3A = arith.extui %lt3A_1 : i1 to i32
    %cond3A = arith.constant 0 : i32
    %cond3A_2 = arith.cmpi ne, %convert_element_type3A, %cond3A : i32
    scf.if %cond3A_2 {
      %mul3A_3 = arith.constant 3 : i32
      %mul3A_4 = arith.muli %add3A, %mul3A_3 : i32
      %add3A_5 = arith.constant 0 : i32
      %add3A_6 = arith.addi %mul3A_4, %add3A_5 : i32
      %mul3A_7 = arith.constant 8192 : i32
      %mul3A_8 = arith.muli %add3A_6, %mul3A_7 : i32
      "tpu.region"() ({
        %run_scoped3A = tpu.sem_alloc : memref<!tpu.dma_semaphore, #tpu.memory_space<semaphore_mem>>
        %dma_start3A = tpu.memref_slice %arg2[%mul3A_8] : memref<393216xf32, #tpu.memory_space<hbm>> -> memref<8192xf32, #tpu.memory_space<hbm>>
        %dma_start3A_181 = tpu.memref_slice %arg2[%mul3A_8] : memref<393216xf32, #tpu.memory_space<hbm>> -> memref<8192xf32, #tpu.memory_space<hbm>>
        tpu.enqueue_dma source(%dma_start3A_181 : memref<8192xf32, #tpu.memory_space<hbm>>) target(%arg4 : memref<8192xf32, #tpu.memory_space<vmem>>) target_semaphore(%run_scoped3A : memref<!tpu.dma_semaphore, #tpu.memory_space<semaphore_mem>>)
        %dma_wait3A = tpu.memref_slice %arg2[%mul3A_8] : memref<393216xf32, #tpu.memory_space<hbm>> -> memref<8192xf32, #tpu.memory_space<hbm>>
        %dma_wait3A_182 = tpu.memref_slice %arg2[%mul3A_8] : memref<393216xf32, #tpu.memory_space<hbm>> -> memref<8192xf32, #tpu.memory_space<hbm>>
        tpu.wait_dma2 semaphore(%run_scoped3A : memref<!tpu.dma_semaphore, #tpu.memory_space<semaphore_mem>>) src(%dma_wait3A_182 : memref<8192xf32, #tpu.memory_space<hbm>>) dst(%arg4 : memref<8192xf32, #tpu.memory_space<vmem>>)
        tpu.yield
      }) : () -> ()
      %mul3A_9 = arith.constant 3 : i32
      %mul3A_10 = arith.muli %add3A, %mul3A_9 : i32
      %add3A_11 = arith.constant 1 : i32
      %add3A_12 = arith.addi %mul3A_10, %add3A_11 : i32
      %mul3A_13 = arith.constant 8192 : i32
      %mul3A_14 = arith.muli %add3A_12, %mul3A_13 : i32
      "tpu.region"() ({
        %run_scoped3A = tpu.sem_alloc : memref<!tpu.dma_semaphore, #tpu.memory_space<semaphore_mem>>
        %dma_start3A = tpu.memref_slice %arg2[%mul3A_14] : memref<393216xf32, #tpu.memory_space<hbm>> -> memref<8192xf32, #tpu.memory_space<hbm>>
        %dma_start3A_181 = tpu.memref_slice %arg2[%mul3A_14] : memref<393216xf32, #tpu.memory_space<hbm>> -> memref<8192xf32, #tpu.memory_space<hbm>>
        tpu.enqueue_dma source(%dma_start3A_181 : memref<8192xf32, #tpu.memory_space<hbm>>) target(%arg5 : memref<8192xf32, #tpu.memory_space<vmem>>) target_semaphore(%run_scoped3A : memref<!tpu.dma_semaphore, #tpu.memory_space<semaphore_mem>>)
        %dma_wait3A = tpu.memref_slice %arg2[%mul3A_14] : memref<393216xf32, #tpu.memory_space<hbm>> -> memref<8192xf32, #tpu.memory_space<hbm>>
        %dma_wait3A_182 = tpu.memref_slice %arg2[%mul3A_14] : memref<393216xf32, #tpu.memory_space<hbm>> -> memref<8192xf32, #tpu.memory_space<hbm>>
        tpu.wait_dma2 semaphore(%run_scoped3A : memref<!tpu.dma_semaphore, #tpu.memory_space<semaphore_mem>>) src(%dma_wait3A_182 : memref<8192xf32, #tpu.memory_space<hbm>>) dst(%arg5 : memref<8192xf32, #tpu.memory_space<vmem>>)
        tpu.yield
      }) : () -> ()
      %mul3A_15 = arith.constant 3 : i32
      %mul3A_16 = arith.muli %add3A, %mul3A_15 : i32
      %add3A_17 = arith.constant 2 : i32
      %add3A_18 = arith.addi %mul3A_16, %add3A_17 : i32
      %mul3A_19 = arith.constant 8192 : i32
      %mul3A_20 = arith.muli %add3A_18, %mul3A_19 : i32
      "tpu.region"() ({
        %run_scoped3A = tpu.sem_alloc : memref<!tpu.dma_semaphore, #tpu.memory_space<semaphore_mem>>
        %dma_start3A = tpu.memref_slice %arg2[%mul3A_20] : memref<393216xf32, #tpu.memory_space<hbm>> -> memref<8192xf32, #tpu.memory_space<hbm>>
        %dma_start3A_181 = tpu.memref_slice %arg2[%mul3A_20] : memref<393216xf32, #tpu.memory_space<hbm>> -> memref<8192xf32, #tpu.memory_space<hbm>>
        tpu.enqueue_dma source(%dma_start3A_181 : memref<8192xf32, #tpu.memory_space<hbm>>) target(%arg6 : memref<8192xf32, #tpu.memory_space<vmem>>) target_semaphore(%run_scoped3A : memref<!tpu.dma_semaphore, #tpu.memory_space<semaphore_mem>>)
        %dma_wait3A = tpu.memref_slice %arg2[%mul3A_20] : memref<393216xf32, #tpu.memory_space<hbm>> -> memref<8192xf32, #tpu.memory_space<hbm>>
        %dma_wait3A_182 = tpu.memref_slice %arg2[%mul3A_20] : memref<393216xf32, #tpu.memory_space<hbm>> -> memref<8192xf32, #tpu.memory_space<hbm>>
        tpu.wait_dma2 semaphore(%run_scoped3A : memref<!tpu.dma_semaphore, #tpu.memory_space<semaphore_mem>>) src(%dma_wait3A_182 : memref<8192xf32, #tpu.memory_space<hbm>>) dst(%arg6 : memref<8192xf32, #tpu.memory_space<vmem>>)
        tpu.yield
      }) : () -> ()
      %iota3A = tpu.iota {dimensions = array<i32: 0>} : vector<16xi32>
      %broadcast_in_dim3A = arith.constant 0 : i32
      %broadcast_in_dim3A_21 = vector.broadcast %broadcast_in_dim3A : i32 to vector<16xi32>
      %eq3A = arith.constant 0 : i32
      %eq3A_22 = vector.broadcast %eq3A : i32 to vector<16xi32>
      %eq3A_23 = arith.cmpi eq, %iota3A, %eq3A_22 : vector<16xi32>
      %broadcast_in_dim3A_24 = arith.constant 0x7F800000 : f32
      %broadcast_in_dim3A_25 = vector.broadcast %broadcast_in_dim3A_24 : f32 to vector<16xf32>
      %scan3A = arith.constant 0 : i32
      %scan3A_26 = arith.constant 0 : i32
      %scan3A_27 = arith.constant 512 : i32
      %scan3A_28 = arith.addi %scan3A_26, %scan3A_27 : i32
      %scan3A_29 = arith.constant 1 : i32
      %scan3A_30 = scf.for %scan3A_181 = %scan3A_26 to %scan3A_28 step %scan3A_29 iter_args(%scan3A_182 = %scan3A) -> (i32)  : i32 {
        %mul3A_183 = arith.constant 16 : i32
        %mul3A_184 = arith.muli %scan3A_181, %mul3A_183 : i32
        %swap3A = arith.index_cast %mul3A_184 : i32 to index
        %swap3A_185 = tpu.vector_load %arg7[%swap3A] {strides = array<i32>} : memref<8192xf32, #tpu.memory_space<vmem>>, vector<16xf32>,
        tpu.vector_store %arg7[%swap3A], %broadcast_in_dim3A_25 {strides = array<i32>} : memref<8192xf32, #tpu.memory_space<vmem>>, vector<16xf32>,
        %scan3A_186 = arith.constant 0 : i32
        scf.yield %scan3A_186 : i32
      }
      %scan3A_31 = arith.constant 512 : i32
      %jit3A = arith.constant 0 : i32
      %jit3A_32 = arith.constant 16 : i32
      %div3A = arith.divsi %jit3A, %jit3A_32 : i32
      %sign3A = arith.constant 0 : i32
      %sign3A_33 = arith.cmpi sgt, %jit3A, %sign3A : i32
      %sign3A_34 = arith.extui %sign3A_33 : i1 to i32
      %sign3A_35 = arith.constant 0 : i32
      %sign3A_36 = arith.cmpi slt, %jit3A, %sign3A_35 : i32
      %sign3A_37 = arith.extui %sign3A_36 : i1 to i32
      %sign3A_38 = arith.subi %sign3A_34, %sign3A_37 : i32
      %sign3A_39 = arith.constant 0 : i32
      %sign3A_40 = arith.cmpi sgt, %jit3A_32, %sign3A_39 : i32
      %sign3A_41 = arith.extui %sign3A_40 : i1 to i32
      %sign3A_42 = arith.constant 0 : i32
      %sign3A_43 = arith.cmpi slt, %jit3A_32, %sign3A_42 : i32
      %sign3A_44 = arith.extui %sign3A_43 : i1 to i32
      %sign3A_45 = arith.subi %sign3A_41, %sign3A_44 : i32
      %ne3A = arith.cmpi ne, %sign3A_38, %sign3A_45 : i32
      %rem3A = arith.remsi %jit3A, %jit3A_32 : i32
      %ne3A_46 = arith.constant 0 : i32
      %ne3A_47 = arith.cmpi ne, %rem3A, %ne3A_46 : i32
      %and3A = arith.andi %ne3A, %ne3A_47 : i1
      %sub3A = arith.constant 1 : i32
      %sub3A_48 = arith.subi %div3A, %sub3A : i32
      %select_n3A = arith.select %and3A, %sub3A_48, %div3A : i32
      %mul3A_49 = arith.constant 16 : i32
      %mul3A_50 = arith.muli %select_n3A, %mul3A_49 : i32
      %get3A = arith.index_cast %mul3A_50 : i32 to index
      %get3A_51 = tpu.vector_load %arg4[%get3A] {strides = array<i32>} : memref<8192xf32, #tpu.memory_space<vmem>>, vector<16xf32>,
      %sub3A_52 = arith.constant 0 : i32
      %sub3A_53 = arith.subi %sub3A_52, %mul3A_50 : i32
      %eq3A_54 = vector.broadcast %sub3A_53 : i32 to vector<16xi32>
      %eq3A_55 = arith.cmpi eq, %iota3A, %eq3A_54 : vector<16xi32>
      %jit3A_56 = arith.constant 0.000000e+00 : f32
      %broadcast_in_dim3A_57 = vector.broadcast %jit3A_56 : f32 to vector<16xf32>
      %select_n3A_58 = arith.select %eq3A_55, %get3A_51, %broadcast_in_dim3A_57 : vector<16xi1>, vector<16xf32>
      %reduce_sum3A = arith.constant true
      %reduce_sum3A_59 = vector.broadcast %reduce_sum3A : i1 to vector<16xi1>
      %reduce_sum3A_60 = tpu.scan <sum>, %select_n3A_58 masked %reduce_sum3A_59 : vector<16xf32>, vector<16xi1> -> vector<16xf32>
      %reduce_sum3A_61 = vector.extract %reduce_sum3A_60[15] : f32 from vector<16xf32>
      %broadcast_in_dim3A_62 = vector.broadcast %reduce_sum3A_61 : f32 to vector<16xf32>
      %jit3A_63 = arith.constant 0 : i32
      %jit3A_64 = arith.constant 16 : i32
      %div3A_65 = arith.divsi %jit3A_63, %jit3A_64 : i32
      %sign3A_66 = arith.constant 0 : i32
      %sign3A_67 = arith.cmpi sgt, %jit3A_63, %sign3A_66 : i32
      %sign3A_68 = arith.extui %sign3A_67 : i1 to i32
      %sign3A_69 = arith.constant 0 : i32
      %sign3A_70 = arith.cmpi slt, %jit3A_63, %sign3A_69 : i32
      %sign3A_71 = arith.extui %sign3A_70 : i1 to i32
      %sign3A_72 = arith.subi %sign3A_68, %sign3A_71 : i32
      %sign3A_73 = arith.constant 0 : i32
      %sign3A_74 = arith.cmpi sgt, %jit3A_64, %sign3A_73 : i32
      %sign3A_75 = arith.extui %sign3A_74 : i1 to i32
      %sign3A_76 = arith.constant 0 : i32
      %sign3A_77 = arith.cmpi slt, %jit3A_64, %sign3A_76 : i32
      %sign3A_78 = arith.extui %sign3A_77 : i1 to i32
      %sign3A_79 = arith.subi %sign3A_75, %sign3A_78 : i32
      %ne3A_80 = arith.cmpi ne, %sign3A_72, %sign3A_79 : i32
      %rem3A_81 = arith.remsi %jit3A_63, %jit3A_64 : i32
      %ne3A_82 = arith.constant 0 : i32
      %ne3A_83 = arith.cmpi ne, %rem3A_81, %ne3A_82 : i32
      %and3A_84 = arith.andi %ne3A_80, %ne3A_83 : i1
      %sub3A_85 = arith.constant 1 : i32
      %sub3A_86 = arith.subi %div3A_65, %sub3A_85 : i32
      %select_n3A_87 = arith.select %and3A_84, %sub3A_86, %div3A_65 : i32
      %mul3A_88 = arith.constant 16 : i32
      %mul3A_89 = arith.muli %select_n3A_87, %mul3A_88 : i32
      %get3A_90 = arith.index_cast %mul3A_89 : i32 to index
      %get3A_91 = tpu.vector_load %arg5[%get3A_90] {strides = array<i32>} : memref<8192xf32, #tpu.memory_space<vmem>>, vector<16xf32>,
      %sub3A_92 = arith.constant 0 : i32
      %sub3A_93 = arith.subi %sub3A_92, %mul3A_89 : i32
      %eq3A_94 = vector.broadcast %sub3A_93 : i32 to vector<16xi32>
      %eq3A_95 = arith.cmpi eq, %iota3A, %eq3A_94 : vector<16xi32>
      %jit3A_96 = arith.constant 0.000000e+00 : f32
      %broadcast_in_dim3A_97 = vector.broadcast %jit3A_96 : f32 to vector<16xf32>
      %select_n3A_98 = arith.select %eq3A_95, %get3A_91, %broadcast_in_dim3A_97 : vector<16xi1>, vector<16xf32>
      %reduce_sum3A_99 = arith.constant true
      %reduce_sum3A_100 = vector.broadcast %reduce_sum3A_99 : i1 to vector<16xi1>
      %reduce_sum3A_101 = tpu.scan <sum>, %select_n3A_98 masked %reduce_sum3A_100 : vector<16xf32>, vector<16xi1> -> vector<16xf32>
      %reduce_sum3A_102 = vector.extract %reduce_sum3A_101[15] : f32 from vector<16xf32>
      %broadcast_in_dim3A_103 = vector.broadcast %reduce_sum3A_102 : f32 to vector<16xf32>
      %jit3A_104 = arith.constant 0 : i32
      %jit3A_105 = arith.constant 16 : i32
      %div3A_106 = arith.divsi %jit3A_104, %jit3A_105 : i32
      %sign3A_107 = arith.constant 0 : i32
      %sign3A_108 = arith.cmpi sgt, %jit3A_104, %sign3A_107 : i32
      %sign3A_109 = arith.extui %sign3A_108 : i1 to i32
      %sign3A_110 = arith.constant 0 : i32
      %sign3A_111 = arith.cmpi slt, %jit3A_104, %sign3A_110 : i32
      %sign3A_112 = arith.extui %sign3A_111 : i1 to i32
      %sign3A_113 = arith.subi %sign3A_109, %sign3A_112 : i32
      %sign3A_114 = arith.constant 0 : i32
      %sign3A_115 = arith.cmpi sgt, %jit3A_105, %sign3A_114 : i32
      %sign3A_116 = arith.extui %sign3A_115 : i1 to i32
      %sign3A_117 = arith.constant 0 : i32
      %sign3A_118 = arith.cmpi slt, %jit3A_105, %sign3A_117 : i32
      %sign3A_119 = arith.extui %sign3A_118 : i1 to i32
      %sign3A_120 = arith.subi %sign3A_116, %sign3A_119 : i32
      %ne3A_121 = arith.cmpi ne, %sign3A_113, %sign3A_120 : i32
      %rem3A_122 = arith.remsi %jit3A_104, %jit3A_105 : i32
      %ne3A_123 = arith.constant 0 : i32
      %ne3A_124 = arith.cmpi ne, %rem3A_122, %ne3A_123 : i32
      %and3A_125 = arith.andi %ne3A_121, %ne3A_124 : i1
      %sub3A_126 = arith.constant 1 : i32
      %sub3A_127 = arith.subi %div3A_106, %sub3A_126 : i32
      %select_n3A_128 = arith.select %and3A_125, %sub3A_127, %div3A_106 : i32
      %mul3A_129 = arith.constant 16 : i32
      %mul3A_130 = arith.muli %select_n3A_128, %mul3A_129 : i32
      %get3A_131 = arith.index_cast %mul3A_130 : i32 to index
      %get3A_132 = tpu.vector_load %arg6[%get3A_131] {strides = array<i32>} : memref<8192xf32, #tpu.memory_space<vmem>>, vector<16xf32>,
      %sub3A_133 = arith.constant 0 : i32
      %sub3A_134 = arith.subi %sub3A_133, %mul3A_130 : i32
      %eq3A_135 = vector.broadcast %sub3A_134 : i32 to vector<16xi32>
      %eq3A_136 = arith.cmpi eq, %iota3A, %eq3A_135 : vector<16xi32>
      %jit3A_137 = arith.constant 0.000000e+00 : f32
      %broadcast_in_dim3A_138 = vector.broadcast %jit3A_137 : f32 to vector<16xf32>
      %select_n3A_139 = arith.select %eq3A_136, %get3A_132, %broadcast_in_dim3A_138 : vector<16xi1>, vector<16xf32>
      %reduce_sum3A_140 = arith.constant true
      %reduce_sum3A_141 = vector.broadcast %reduce_sum3A_140 : i1 to vector<16xi1>
      %reduce_sum3A_142 = tpu.scan <sum>, %select_n3A_139 masked %reduce_sum3A_141 : vector<16xf32>, vector<16xi1> -> vector<16xf32>
      %reduce_sum3A_143 = vector.extract %reduce_sum3A_142[15] : f32 from vector<16xf32>
      %broadcast_in_dim3A_144 = vector.broadcast %reduce_sum3A_143 : f32 to vector<16xf32>
      %jit3A_145 = arith.constant 0.000000e+00 : f32
      %broadcast_in_dim3A_146 = vector.broadcast %jit3A_145 : f32 to vector<16xf32>
      %select_n3A_147 = arith.select %eq3A_23, %broadcast_in_dim3A_62, %broadcast_in_dim3A_146 : vector<16xi1>, vector<16xf32>
      %jit3A_148 = arith.constant 0.000000e+00 : f32
      %broadcast_in_dim3A_149 = vector.broadcast %jit3A_148 : f32 to vector<16xf32>
      %select_n3A_150 = arith.select %eq3A_23, %broadcast_in_dim3A_103, %broadcast_in_dim3A_149 : vector<16xi1>, vector<16xf32>
      %jit3A_151 = arith.constant 0.000000e+00 : f32
      %broadcast_in_dim3A_152 = vector.broadcast %jit3A_151 : f32 to vector<16xf32>
      %select_n3A_153 = arith.select %eq3A_23, %broadcast_in_dim3A_144, %broadcast_in_dim3A_152 : vector<16xi1>, vector<16xf32>
      %broadcast_in_dim3A_154 = arith.constant 0xFF800000 : f32
      %broadcast_in_dim3A_155 = vector.broadcast %broadcast_in_dim3A_154 : f32 to vector<16xf32>
      %scan3A_156 = arith.constant 0.000000e+00 : f32
      %scan3A_157 = arith.constant 1 : i32
      %scan3A_158 = arith.constant 2047 : i32
      %scan3A_159 = arith.addi %scan3A_157, %scan3A_158 : i32
      %scan3A_160 = arith.constant 1 : i32
      %scan3A_161:6 = scf.for %scan3A_181 = %scan3A_157 to %scan3A_159 step %scan3A_160 iter_args(%scan3A_182 = %broadcast_in_dim3A_62, %scan3A_183 = %broadcast_in_dim3A_103, %scan3A_184 = %broadcast_in_dim3A_144, %scan3A_185 = %select_n3A_147, %scan3A_186 = %select_n3A_150, %scan3A_187 = %select_n3A_153) -> (vector<16xf32>, vector<16xf32>, vector<16xf32>, vector<16xf32>, vector<16xf32>, vector<16xf32>)  : i32 {
        %parallel_loop3A = arith.constant 0 : i32
        %parallel_loop3A_188 = arith.constant 512 : i32
        %parallel_loop3A_189 = arith.constant 1 : i32
        %parallel_loop3A_190:2 = scf.for %parallel_loop3A_346 = %parallel_loop3A to %parallel_loop3A_188 step %parallel_loop3A_189 iter_args(%parallel_loop3A_347 = %broadcast_in_dim3A_155, %parallel_loop3A_348 = %broadcast_in_dim3A_21) -> (vector<16xf32>, vector<16xi32>)  : i32 {
          %parallel_loop3A_349 = arith.constant 16 : i32
          %parallel_loop3A_350 = arith.muli %parallel_loop3A_346, %parallel_loop3A_349 : i32
          %parallel_loop3A_351 = arith.index_cast %parallel_loop3A_350 : i32 to index
          %parallel_loop3A_352 = tpu.vector_load %arg4[%parallel_loop3A_351] {strides = array<i32>} : memref<8192xf32, #tpu.memory_space<vmem>>, vector<16xf32>,
          %parallel_loop3A_353 = arith.subf %parallel_loop3A_352, %scan3A_182 : vector<16xf32>
          %parallel_loop3A_354 = arith.index_cast %parallel_loop3A_350 : i32 to index
          %parallel_loop3A_355 = tpu.vector_load %arg5[%parallel_loop3A_354] {strides = array<i32>} : memref<8192xf32, #tpu.memory_space<vmem>>, vector<16xf32>,
          %parallel_loop3A_356 = arith.subf %parallel_loop3A_355, %scan3A_183 : vector<16xf32>
          %parallel_loop3A_357 = arith.index_cast %parallel_loop3A_350 : i32 to index
          %parallel_loop3A_358 = tpu.vector_load %arg6[%parallel_loop3A_357] {strides = array<i32>} : memref<8192xf32, #tpu.memory_space<vmem>>, vector<16xf32>,
          %parallel_loop3A_359 = arith.subf %parallel_loop3A_358, %scan3A_184 : vector<16xf32>
          %parallel_loop3A_360 = arith.mulf %parallel_loop3A_353, %parallel_loop3A_353 : vector<16xf32>
          %parallel_loop3A_361 = arith.mulf %parallel_loop3A_356, %parallel_loop3A_356 : vector<16xf32>
          %parallel_loop3A_362 = arith.addf %parallel_loop3A_360, %parallel_loop3A_361 : vector<16xf32>
          %parallel_loop3A_363 = arith.mulf %parallel_loop3A_359, %parallel_loop3A_359 : vector<16xf32>
          %parallel_loop3A_364 = arith.addf %parallel_loop3A_362, %parallel_loop3A_363 : vector<16xf32>
          %parallel_loop3A_365 = arith.index_cast %parallel_loop3A_350 : i32 to index
          %parallel_loop3A_366 = tpu.vector_load %arg7[%parallel_loop3A_365] {strides = array<i32>} : memref<8192xf32, #tpu.memory_space<vmem>>, vector<16xf32>,
          %parallel_loop3A_367 = arith.minimumf %parallel_loop3A_366, %parallel_loop3A_364 : vector<16xf32>
          %parallel_loop3A_368 = arith.index_cast %parallel_loop3A_350 : i32 to index
          %parallel_loop3A_369 = tpu.vector_load %arg7[%parallel_loop3A_368] {strides = array<i32>} : memref<8192xf32, #tpu.memory_space<vmem>>, vector<16xf32>,
          tpu.vector_store %arg7[%parallel_loop3A_368], %parallel_loop3A_367 {strides = array<i32>} : memref<8192xf32, #tpu.memory_space<vmem>>, vector<16xf32>,
          %parallel_loop3A_370 = arith.cmpf ogt, %parallel_loop3A_367, %parallel_loop3A_347 : vector<16xf32>
          %parallel_loop3A_371 = arith.select %parallel_loop3A_370, %parallel_loop3A_367, %parallel_loop3A_347 : vector<16xi1>, vector<16xf32>
          %parallel_loop3A_372 = arith.constant 16 : i32
          %parallel_loop3A_373 = arith.muli %parallel_loop3A_346, %parallel_loop3A_372 : i32
          %parallel_loop3A_374 = vector.broadcast %parallel_loop3A_373 : i32 to vector<16xi32>
          %parallel_loop3A_375 = arith.addi %iota3A, %parallel_loop3A_374 : vector<16xi32>
          %parallel_loop3A_376 = arith.select %parallel_loop3A_370, %parallel_loop3A_375, %parallel_loop3A_348 : vector<16xi1>, vector<16xi32>
          scf.yield %parallel_loop3A_371, %parallel_loop3A_376 : vector<16xf32>, vector<16xi32>
        } {sc.loop_unroll_factor = 8 : i64, sc.parallel_access}
        %reduce_max3A = arith.constant true
        %reduce_max3A_191 = vector.broadcast %reduce_max3A : i1 to vector<16xi1>
        %reduce_max3A_192 = tpu.scan <max>, %parallel_loop3A_190#0 masked %reduce_max3A_191 : vector<16xf32>, vector<16xi1> -> vector<16xf32>
        %reduce_max3A_193 = vector.extract %reduce_max3A_192[15] : f32 from vector<16xf32>
        %eq3A_194 = vector.broadcast %reduce_max3A_193 : f32 to vector<16xf32>
        %eq3A_195 = arith.cmpf oeq, %parallel_loop3A_190#0, %eq3A_194 : vector<16xf32>
        %jit3A_196 = arith.constant 1073741824 : i32
        %broadcast_in_dim3A_197 = vector.broadcast %jit3A_196 : i32 to vector<16xi32>
        %select_n3A_198 = arith.select %eq3A_195, %parallel_loop3A_190#1, %broadcast_in_dim3A_197 : vector<16xi1>, vector<16xi32>
        %reduce_min3A = arith.constant true
        %reduce_min3A_199 = vector.broadcast %reduce_min3A : i1 to vector<16xi1>
        %reduce_min3A_200 = arith.constant -2147483648 : i32
        %reduce_min3A_201 = vector.broadcast %reduce_min3A_200 : i32 to vector<16xi32>
        %reduce_min3A_202 = arith.xori %select_n3A_198, %reduce_min3A_201 : vector<16xi32>
        %reduce_min3A_203 = tpu.scan <min>, %reduce_min3A_202 masked %reduce_min3A_199 : vector<16xi32>, vector<16xi1> -> vector<16xi32>
        %reduce_min3A_204 = arith.xori %reduce_min3A_203, %reduce_min3A_201 : vector<16xi32>
        %reduce_min3A_205 = vector.extract %reduce_min3A_204[15] : i32 from vector<16xi32>
        %jit3A_206 = arith.constant 16 : i32
        %div3A_207 = arith.divsi %reduce_min3A_205, %jit3A_206 : i32
        %sign3A_208 = arith.constant 0 : i32
        %sign3A_209 = arith.cmpi sgt, %reduce_min3A_205, %sign3A_208 : i32
        %sign3A_210 = arith.extui %sign3A_209 : i1 to i32
        %sign3A_211 = arith.constant 0 : i32
        %sign3A_212 = arith.cmpi slt, %reduce_min3A_205, %sign3A_211 : i32
        %sign3A_213 = arith.extui %sign3A_212 : i1 to i32
        %sign3A_214 = arith.subi %sign3A_210, %sign3A_213 : i32
        %sign3A_215 = arith.constant 0 : i32
        %sign3A_216 = arith.cmpi sgt, %jit3A_206, %sign3A_215 : i32
        %sign3A_217 = arith.extui %sign3A_216 : i1 to i32
        %sign3A_218 = arith.constant 0 : i32
        %sign3A_219 = arith.cmpi slt, %jit3A_206, %sign3A_218 : i32
        %sign3A_220 = arith.extui %sign3A_219 : i1 to i32
        %sign3A_221 = arith.subi %sign3A_217, %sign3A_220 : i32
        %ne3A_222 = arith.cmpi ne, %sign3A_214, %sign3A_221 : i32
        %rem3A_223 = arith.remsi %reduce_min3A_205, %jit3A_206 : i32
        %ne3A_224 = arith.constant 0 : i32
        %ne3A_225 = arith.cmpi ne, %rem3A_223, %ne3A_224 : i32
        %and3A_226 = arith.andi %ne3A_222, %ne3A_225 : i1
        %sub3A_227 = arith.constant 1 : i32
        %sub3A_228 = arith.subi %div3A_207, %sub3A_227 : i32
        %select_n3A_229 = arith.select %and3A_226, %sub3A_228, %div3A_207 : i32
        %mul3A_230 = arith.constant 16 : i32
        %mul3A_231 = arith.muli %select_n3A_229, %mul3A_230 : i32
        %get3A_232 = arith.index_cast %mul3A_231 : i32 to index
        %get3A_233 = tpu.vector_load %arg4[%get3A_232] {strides = array<i32>} : memref<8192xf32, #tpu.memory_space<vmem>>, vector<16xf32>,
        %sub3A_234 = arith.subi %reduce_min3A_205, %mul3A_231 : i32
        %eq3A_235 = vector.broadcast %sub3A_234 : i32 to vector<16xi32>
        %eq3A_236 = arith.cmpi eq, %iota3A, %eq3A_235 : vector<16xi32>
        %broadcast_in_dim3A_237 = vector.broadcast %scan3A_156 : f32 to vector<16xf32>
        %select_n3A_238 = arith.select %eq3A_236, %get3A_233, %broadcast_in_dim3A_237 : vector<16xi1>, vector<16xf32>
        %reduce_sum3A_239 = arith.constant true
        %reduce_sum3A_240 = vector.broadcast %reduce_sum3A_239 : i1 to vector<16xi1>
        %reduce_sum3A_241 = tpu.scan <sum>, %select_n3A_238 masked %reduce_sum3A_240 : vector<16xf32>, vector<16xi1> -> vector<16xf32>
        %reduce_sum3A_242 = vector.extract %reduce_sum3A_241[15] : f32 from vector<16xf32>
        %broadcast_in_dim3A_243 = vector.broadcast %reduce_sum3A_242 : f32 to vector<16xf32>
        %jit3A_244 = arith.constant 16 : i32
        %div3A_245 = arith.divsi %reduce_min3A_205, %jit3A_244 : i32
        %sign3A_246 = arith.constant 0 : i32
        %sign3A_247 = arith.cmpi sgt, %reduce_min3A_205, %sign3A_246 : i32
        %sign3A_248 = arith.extui %sign3A_247 : i1 to i32
        %sign3A_249 = arith.constant 0 : i32
        %sign3A_250 = arith.cmpi slt, %reduce_min3A_205, %sign3A_249 : i32
        %sign3A_251 = arith.extui %sign3A_250 : i1 to i32
        %sign3A_252 = arith.subi %sign3A_248, %sign3A_251 : i32
        %sign3A_253 = arith.constant 0 : i32
        %sign3A_254 = arith.cmpi sgt, %jit3A_244, %sign3A_253 : i32
        %sign3A_255 = arith.extui %sign3A_254 : i1 to i32
        %sign3A_256 = arith.constant 0 : i32
        %sign3A_257 = arith.cmpi slt, %jit3A_244, %sign3A_256 : i32
        %sign3A_258 = arith.extui %sign3A_257 : i1 to i32
        %sign3A_259 = arith.subi %sign3A_255, %sign3A_258 : i32
        %ne3A_260 = arith.cmpi ne, %sign3A_252, %sign3A_259 : i32
        %rem3A_261 = arith.remsi %reduce_min3A_205, %jit3A_244 : i32
        %ne3A_262 = arith.constant 0 : i32
        %ne3A_263 = arith.cmpi ne, %rem3A_261, %ne3A_262 : i32
        %and3A_264 = arith.andi %ne3A_260, %ne3A_263 : i1
        %sub3A_265 = arith.constant 1 : i32
        %sub3A_266 = arith.subi %div3A_245, %sub3A_265 : i32
        %select_n3A_267 = arith.select %and3A_264, %sub3A_266, %div3A_245 : i32
        %mul3A_268 = arith.constant 16 : i32
        %mul3A_269 = arith.muli %select_n3A_267, %mul3A_268 : i32
        %get3A_270 = arith.index_cast %mul3A_269 : i32 to index
        %get3A_271 = tpu.vector_load %arg5[%get3A_270] {strides = array<i32>} : memref<8192xf32, #tpu.memory_space<vmem>>, vector<16xf32>,
        %sub3A_272 = arith.subi %reduce_min3A_205, %mul3A_269 : i32
        %eq3A_273 = vector.broadcast %sub3A_272 : i32 to vector<16xi32>
        %eq3A_274 = arith.cmpi eq, %iota3A, %eq3A_273 : vector<16xi32>
        %broadcast_in_dim3A_275 = vector.broadcast %scan3A_156 : f32 to vector<16xf32>
        %select_n3A_276 = arith.select %eq3A_274, %get3A_271, %broadcast_in_dim3A_275 : vector<16xi1>, vector<16xf32>
        %reduce_sum3A_277 = arith.constant true
        %reduce_sum3A_278 = vector.broadcast %reduce_sum3A_277 : i1 to vector<16xi1>
        %reduce_sum3A_279 = tpu.scan <sum>, %select_n3A_276 masked %reduce_sum3A_278 : vector<16xf32>, vector<16xi1> -> vector<16xf32>
        %reduce_sum3A_280 = vector.extract %reduce_sum3A_279[15] : f32 from vector<16xf32>
        %broadcast_in_dim3A_281 = vector.broadcast %reduce_sum3A_280 : f32 to vector<16xf32>
        %jit3A_282 = arith.constant 16 : i32
        %div3A_283 = arith.divsi %reduce_min3A_205, %jit3A_282 : i32
        %sign3A_284 = arith.constant 0 : i32
        %sign3A_285 = arith.cmpi sgt, %reduce_min3A_205, %sign3A_284 : i32
        %sign3A_286 = arith.extui %sign3A_285 : i1 to i32
        %sign3A_287 = arith.constant 0 : i32
        %sign3A_288 = arith.cmpi slt, %reduce_min3A_205, %sign3A_287 : i32
        %sign3A_289 = arith.extui %sign3A_288 : i1 to i32
        %sign3A_290 = arith.subi %sign3A_286, %sign3A_289 : i32
        %sign3A_291 = arith.constant 0 : i32
        %sign3A_292 = arith.cmpi sgt, %jit3A_282, %sign3A_291 : i32
        %sign3A_293 = arith.extui %sign3A_292 : i1 to i32
        %sign3A_294 = arith.constant 0 : i32
        %sign3A_295 = arith.cmpi slt, %jit3A_282, %sign3A_294 : i32
        %sign3A_296 = arith.extui %sign3A_295 : i1 to i32
        %sign3A_297 = arith.subi %sign3A_293, %sign3A_296 : i32
        %ne3A_298 = arith.cmpi ne, %sign3A_290, %sign3A_297 : i32
        %rem3A_299 = arith.remsi %reduce_min3A_205, %jit3A_282 : i32
        %ne3A_300 = arith.constant 0 : i32
        %ne3A_301 = arith.cmpi ne, %rem3A_299, %ne3A_300 : i32
        %and3A_302 = arith.andi %ne3A_298, %ne3A_301 : i1
        %sub3A_303 = arith.constant 1 : i32
        %sub3A_304 = arith.subi %div3A_283, %sub3A_303 : i32
        %select_n3A_305 = arith.select %and3A_302, %sub3A_304, %div3A_283 : i32
        %mul3A_306 = arith.constant 16 : i32
        %mul3A_307 = arith.muli %select_n3A_305, %mul3A_306 : i32
        %get3A_308 = arith.index_cast %mul3A_307 : i32 to index
        %get3A_309 = tpu.vector_load %arg6[%get3A_308] {strides = array<i32>} : memref<8192xf32, #tpu.memory_space<vmem>>, vector<16xf32>,
        %sub3A_310 = arith.subi %reduce_min3A_205, %mul3A_307 : i32
        %eq3A_311 = vector.broadcast %sub3A_310 : i32 to vector<16xi32>
        %eq3A_312 = arith.cmpi eq, %iota3A, %eq3A_311 : vector<16xi32>
        %broadcast_in_dim3A_313 = vector.broadcast %scan3A_156 : f32 to vector<16xf32>
        %select_n3A_314 = arith.select %eq3A_312, %get3A_309, %broadcast_in_dim3A_313 : vector<16xi1>, vector<16xf32>
        %reduce_sum3A_315 = arith.constant true
        %reduce_sum3A_316 = vector.broadcast %reduce_sum3A_315 : i1 to vector<16xi1>
        %reduce_sum3A_317 = tpu.scan <sum>, %select_n3A_314 masked %reduce_sum3A_316 : vector<16xf32>, vector<16xi1> -> vector<16xf32>
        %reduce_sum3A_318 = vector.extract %reduce_sum3A_317[15] : f32 from vector<16xf32>
        %broadcast_in_dim3A_319 = vector.broadcast %reduce_sum3A_318 : f32 to vector<16xf32>
        %jit3A_320 = arith.constant 16 : i32
        %eq3A_321 = arith.constant 0 : i32
        %eq3A_322 = arith.cmpi eq, %jit3A_320, %eq3A_321 : i32
        %jit3A_323 = arith.constant 1 : i32
        %select_n3A_324 = arith.select %eq3A_322, %jit3A_323, %jit3A_320 : i32
        %rem3A_325 = arith.remsi %scan3A_181, %select_n3A_324 : i32
        %ne3A_326 = arith.constant 0 : i32
        %ne3A_327 = arith.cmpi ne, %rem3A_325, %ne3A_326 : i32
        %lt3A_328 = arith.constant 0 : i32
        %lt3A_329 = arith.cmpi slt, %rem3A_325, %lt3A_328 : i32
        %lt3A_330 = arith.constant 0 : i32
        %lt3A_331 = arith.cmpi slt, %select_n3A_324, %lt3A_330 : i32
        %ne3A_332 = arith.xori %lt3A_329, %lt3A_331 : i1
        %and3A_333 = arith.andi %ne3A_332, %ne3A_327 : i1
        %add3A_334 = arith.addi %rem3A_325, %select_n3A_324 : i32
        %select_n3A_335 = arith.select %and3A_333, %add3A_334, %rem3A_325 : i32
        %eq3A_336 = vector.broadcast %select_n3A_335 : i32 to vector<16xi32>
        %eq3A_337 = arith.cmpi eq, %iota3A, %eq3A_336 : vector<16xi32>
        %select_n3A_338 = arith.select %eq3A_337, %broadcast_in_dim3A_243, %scan3A_185 : vector<16xi1>, vector<16xf32>
        %select_n3A_339 = arith.select %eq3A_337, %broadcast_in_dim3A_281, %scan3A_186 : vector<16xi1>, vector<16xf32>
        %select_n3A_340 = arith.select %eq3A_337, %broadcast_in_dim3A_319, %scan3A_187 : vector<16xi1>, vector<16xf32>
        %eq3A_341 = arith.constant 15 : i32
        %eq3A_342 = arith.cmpi eq, %select_n3A_335, %eq3A_341 : i32
        %convert_element_type3A_343 = arith.extui %eq3A_342 : i1 to i32
        %cond3A_344 = arith.constant 0 : i32
        %cond3A_345 = arith.cmpi ne, %convert_element_type3A_343, %cond3A_344 : i32
        scf.if %cond3A_345 {
          %jit3A_346 = arith.constant 16 : i32
          %div3A_347 = arith.divsi %scan3A_181, %jit3A_346 : i32
          %sign3A_348 = arith.constant 0 : i32
          %sign3A_349 = arith.cmpi sgt, %scan3A_181, %sign3A_348 : i32
          %sign3A_350 = arith.extui %sign3A_349 : i1 to i32
          %sign3A_351 = arith.constant 0 : i32
          %sign3A_352 = arith.cmpi slt, %scan3A_181, %sign3A_351 : i32
          %sign3A_353 = arith.extui %sign3A_352 : i1 to i32
          %sign3A_354 = arith.subi %sign3A_350, %sign3A_353 : i32
          %sign3A_355 = arith.constant 0 : i32
          %sign3A_356 = arith.cmpi sgt, %jit3A_346, %sign3A_355 : i32
          %sign3A_357 = arith.extui %sign3A_356 : i1 to i32
          %sign3A_358 = arith.constant 0 : i32
          %sign3A_359 = arith.cmpi slt, %jit3A_346, %sign3A_358 : i32
          %sign3A_360 = arith.extui %sign3A_359 : i1 to i32
          %sign3A_361 = arith.subi %sign3A_357, %sign3A_360 : i32
          %ne3A_362 = arith.cmpi ne, %sign3A_354, %sign3A_361 : i32
          %rem3A_363 = arith.remsi %scan3A_181, %jit3A_346 : i32
          %ne3A_364 = arith.constant 0 : i32
          %ne3A_365 = arith.cmpi ne, %rem3A_363, %ne3A_364 : i32
          %and3A_366 = arith.andi %ne3A_362, %ne3A_365 : i1
          %sub3A_367 = arith.constant 1 : i32
          %sub3A_368 = arith.subi %div3A_347, %sub3A_367 : i32
          %select_n3A_369 = arith.select %and3A_366, %sub3A_368, %div3A_347 : i32
          %mul3A_370 = arith.constant 16 : i32
          %mul3A_371 = arith.muli %select_n3A_369, %mul3A_370 : i32
          %swap3A = arith.index_cast %mul3A_371 : i32 to index
          %swap3A_372 = tpu.vector_load %arg8[%swap3A] {strides = array<i32>} : memref<2048xf32, #tpu.memory_space<vmem>>, vector<16xf32>,
          tpu.vector_store %arg8[%swap3A], %select_n3A_338 {strides = array<i32>} : memref<2048xf32, #tpu.memory_space<vmem>>, vector<16xf32>,
          %swap3A_373 = arith.index_cast %mul3A_371 : i32 to index
          %swap3A_374 = tpu.vector_load %arg9[%swap3A_373] {strides = array<i32>} : memref<2048xf32, #tpu.memory_space<vmem>>, vector<16xf32>,
          tpu.vector_store %arg9[%swap3A_373], %select_n3A_339 {strides = array<i32>} : memref<2048xf32, #tpu.memory_space<vmem>>, vector<16xf32>,
          %swap3A_375 = arith.index_cast %mul3A_371 : i32 to index
          %swap3A_376 = tpu.vector_load %arg10[%swap3A_375] {strides = array<i32>} : memref<2048xf32, #tpu.memory_space<vmem>>, vector<16xf32>,
          tpu.vector_store %arg10[%swap3A_375], %select_n3A_340 {strides = array<i32>} : memref<2048xf32, #tpu.memory_space<vmem>>, vector<16xf32>,
        } else {
        }
        scf.yield %broadcast_in_dim3A_243, %broadcast_in_dim3A_281, %broadcast_in_dim3A_319, %select_n3A_338, %select_n3A_339, %select_n3A_340 : vector<16xf32>, vector<16xf32>, vector<16xf32>, vector<16xf32>, vector<16xf32>, vector<16xf32>
      }
      %scan3A_162 = arith.constant 2047 : i32
      %mul3A_163 = arith.constant 3 : i32
      %mul3A_164 = arith.muli %add3A, %mul3A_163 : i32
      %add3A_165 = arith.constant 0 : i32
      %add3A_166 = arith.addi %mul3A_164, %add3A_165 : i32
      %mul3A_167 = arith.constant 2048 : i32
      %mul3A_168 = arith.muli %add3A_166, %mul3A_167 : i32
      "tpu.region"() ({
        %run_scoped3A = tpu.sem_alloc : memref<!tpu.dma_semaphore, #tpu.memory_space<semaphore_mem>>
        %dma_start3A = tpu.memref_slice %arg3[%mul3A_168] : memref<98304xf32, #tpu.memory_space<hbm>> -> memref<2048xf32, #tpu.memory_space<hbm>>
        %dma_start3A_181 = tpu.memref_slice %arg3[%mul3A_168] : memref<98304xf32, #tpu.memory_space<hbm>> -> memref<2048xf32, #tpu.memory_space<hbm>>
        tpu.enqueue_dma source(%arg8 : memref<2048xf32, #tpu.memory_space<vmem>>) target(%dma_start3A_181 : memref<2048xf32, #tpu.memory_space<hbm>>) target_semaphore(%run_scoped3A : memref<!tpu.dma_semaphore, #tpu.memory_space<semaphore_mem>>)
        %dma_wait3A = tpu.memref_slice %arg3[%mul3A_168] : memref<98304xf32, #tpu.memory_space<hbm>> -> memref<2048xf32, #tpu.memory_space<hbm>>
        %dma_wait3A_182 = tpu.memref_slice %arg3[%mul3A_168] : memref<98304xf32, #tpu.memory_space<hbm>> -> memref<2048xf32, #tpu.memory_space<hbm>>
        tpu.wait_dma2 semaphore(%run_scoped3A : memref<!tpu.dma_semaphore, #tpu.memory_space<semaphore_mem>>) src(%arg8 : memref<2048xf32, #tpu.memory_space<vmem>>) dst(%dma_wait3A_182 : memref<2048xf32, #tpu.memory_space<hbm>>)
        tpu.yield
      }) : () -> ()
      %mul3A_169 = arith.constant 3 : i32
      %mul3A_170 = arith.muli %add3A, %mul3A_169 : i32
      %add3A_171 = arith.constant 1 : i32
      %add3A_172 = arith.addi %mul3A_170, %add3A_171 : i32
      %mul3A_173 = arith.constant 2048 : i32
      %mul3A_174 = arith.muli %add3A_172, %mul3A_173 : i32
      "tpu.region"() ({
        %run_scoped3A = tpu.sem_alloc : memref<!tpu.dma_semaphore, #tpu.memory_space<semaphore_mem>>
        %dma_start3A = tpu.memref_slice %arg3[%mul3A_174] : memref<98304xf32, #tpu.memory_space<hbm>> -> memref<2048xf32, #tpu.memory_space<hbm>>
        %dma_start3A_181 = tpu.memref_slice %arg3[%mul3A_174] : memref<98304xf32, #tpu.memory_space<hbm>> -> memref<2048xf32, #tpu.memory_space<hbm>>
        tpu.enqueue_dma source(%arg9 : memref<2048xf32, #tpu.memory_space<vmem>>) target(%dma_start3A_181 : memref<2048xf32, #tpu.memory_space<hbm>>) target_semaphore(%run_scoped3A : memref<!tpu.dma_semaphore, #tpu.memory_space<semaphore_mem>>)
        %dma_wait3A = tpu.memref_slice %arg3[%mul3A_174] : memref<98304xf32, #tpu.memory_space<hbm>> -> memref<2048xf32, #tpu.memory_space<hbm>>
        %dma_wait3A_182 = tpu.memref_slice %arg3[%mul3A_174] : memref<98304xf32, #tpu.memory_space<hbm>> -> memref<2048xf32, #tpu.memory_space<hbm>>
        tpu.wait_dma2 semaphore(%run_scoped3A : memref<!tpu.dma_semaphore, #tpu.memory_space<semaphore_mem>>) src(%arg9 : memref<2048xf32, #tpu.memory_space<vmem>>) dst(%dma_wait3A_182 : memref<2048xf32, #tpu.memory_space<hbm>>)
        tpu.yield
      }) : () -> ()
      %mul3A_175 = arith.constant 3 : i32
      %mul3A_176 = arith.muli %add3A, %mul3A_175 : i32
      %add3A_177 = arith.constant 2 : i32
      %add3A_178 = arith.addi %mul3A_176, %add3A_177 : i32
      %mul3A_179 = arith.constant 2048 : i32
      %mul3A_180 = arith.muli %add3A_178, %mul3A_179 : i32
      "tpu.region"() ({
        %run_scoped3A = tpu.sem_alloc : memref<!tpu.dma_semaphore, #tpu.memory_space<semaphore_mem>>
        %dma_start3A = tpu.memref_slice %arg3[%mul3A_180] : memref<98304xf32, #tpu.memory_space<hbm>> -> memref<2048xf32, #tpu.memory_space<hbm>>
        %dma_start3A_181 = tpu.memref_slice %arg3[%mul3A_180] : memref<98304xf32, #tpu.memory_space<hbm>> -> memref<2048xf32, #tpu.memory_space<hbm>>
        tpu.enqueue_dma source(%arg10 : memref<2048xf32, #tpu.memory_space<vmem>>) target(%dma_start3A_181 : memref<2048xf32, #tpu.memory_space<hbm>>) target_semaphore(%run_scoped3A : memref<!tpu.dma_semaphore, #tpu.memory_space<semaphore_mem>>)
        %dma_wait3A = tpu.memref_slice %arg3[%mul3A_180] : memref<98304xf32, #tpu.memory_space<hbm>> -> memref<2048xf32, #tpu.memory_space<hbm>>
        %dma_wait3A_182 = tpu.memref_slice %arg3[%mul3A_180] : memref<98304xf32, #tpu.memory_space<hbm>> -> memref<2048xf32, #tpu.memory_space<hbm>>
        tpu.wait_dma2 semaphore(%run_scoped3A : memref<!tpu.dma_semaphore, #tpu.memory_space<semaphore_mem>>) src(%arg10 : memref<2048xf32, #tpu.memory_space<vmem>>) dst(%dma_wait3A_182 : memref<2048xf32, #tpu.memory_space<hbm>>)
        tpu.yield
      }) : () -> ()
    } else {
    }
    return
  }
}

</mosaic_0001>

<sc_bundles>
// kernel: gather_offload_async_start
scs
__scs_entry_jumppad:
0x0: {  	(pc) =	sbr.rel $0x88, $3  }
0x1: {  	(tag) =	ssettag $0x0;
	lr =	simm.s32 $0x1  }
0x2: {  	[smem:$0x3F96] =	sst lr;
	_ =	strace $0xD0000000  }
0x3: {  	_ = 	snop  }
0x4: {  	_ = 	snop  }
0x5: {  	_ = 	snop  }
0x6: {  	_ = 	snop  }
0x7: {  	_ = 	snop  }
__scs_overlays_trampoline_lowered:
0x8: {  	[smem:$0x3FA5] =	sst s0  }
0x9: {  	[smem:$0x3FA6] =	sst s1  }
0xa: {  	[smem:$0x3FA7] =	sst s2  }
0xb: {  	[smem:$0x3FA8] =	sst s3  }
0xc: {  	[smem:$0x3FA9] =	sst s4  }
0xd: {  	[smem:$0x3FAA] =	sst s5  }
0xe: {  	[smem:$0x3FAB] =	sst s6  }
0xf: {  	[smem:$0x3FAC] =	sst s7  }
0x10: {  	[smem:$0x3FAD] =	sst s8  }
0x11: {  	[smem:$0x3FAE] =	sst s9;
	s0 =	simm.s32 @!p0 $0x0  }
0x12: {  	s1 =	sld [smem:$0x3F94];
	s0 =	simm.s32 @p0 $0x1  }
0x13: {  	[smem:$0x3FAF] =	sst s0;
	s0 =	simm.s32 @!p1 $0x0  }
0x14: {  	s2 =	sld [smem:$0x3F93];
	s0 =	simm.s32 @p1 $0x1  }
0x15: {  	[smem:$0x3FB0] =	sst s0;
	s0 =	simm.s32 @!p2 $0x0  }
0x16: {  	s3 =	sld [smem:$0x3FDB];
	s0 =	simm.s32 @p2 $0x1  }
0x17: {  	s4 =	simm.s32 $0x1BF5;
	[smem:$0x3FB2] =	sst s0  }
0x18: {  	s0 =	sld [smem:$0x3F95];
	_ =	swait.ge [sflag:s4], $0x0  }
0x19: {  	s7 =	sld [smem:$0x3F96]  }
0x1a: {  	s8 =	sadd.s32 $0xFFFFE003, lr  }
0x1b: {  	s9 =	sadd.s32 $0xFFFFFEF7, lr;
	s5 =	simm.s32 $0xFFFFFFFF;
	p2 =	slt.u32 s8, $0xFFFFF086  }
0x1c: {  	p1 =	slt.u32 s9, $0xF7A;
	s5 =	simm.s32 @!p2 $0x0  }
0x1d: {  	s5 =	simm.s32 @p1 $0x1;
	p0 =	seq.s32 s7, s2  }
0x1e: {  	s7 =	smul.u32 @!p0 $0xF7A, s2;
	p2 =	seq.s32 @!p0 s5, $0x0  }
0x1f: {  	s9 =	smul.u32 $0xF7A, s1;
	s8 =	simm.s32 @!p0 $0x1BF5;
	p2 =	por !p2, p0  }
0x20: {  	[sflag:s8] =	ssyncset.s32 @!p0 $0xFFFFF086;
	s6 =	sadd.s32 @!p0 s3, s7;
	s7 =	simm.s32 @!p0 $0x108  }
0x21: {  	s3 =	sadd.s32 s3, s9;
	s6 =	sadd.s32 @!p0 $0x88, s6;
	s7 =	simm.s32 @p2 $0x1082  }
0x22: {  	[simem:s7], [sflag:s8] =	dma.local @!p0 [hbm:s6], $0xF7A  }
0x23: {  	s9 =	sor.u32 $0xD0000000, s2;
	s6 =	simm.s32 $0x108;
	_ =	swait.ge @!p0 [sflag:s8], $0x0  }
0x24: {  	s3 =	sadd.s32 $0x88, s3;
	s6 =	simm.s32 @!p1 $0x1082;
	[sflag:s4] =	ssyncset.s32 $0xFFFFF086  }
0x25: {  	[simem:s6], [sflag:s4] =	dma.local [hbm:s3], $0xF7A  }
0x26: {  	[smem:$0x3F96] =	sst s1;
	(tag) =	ssettag s2;
	_ =	strace s9  }
0x27: {  	s1 =	sld [smem:$0x3FA6]  }
0x28: {  	s2 =	sld [smem:$0x3FA7]  }
0x29: {  	s4 =	sld [smem:$0x3FA9]  }
0x2a: {  	p0 =	seq.s32 s5, $0x0;
	s5 =	sld [smem:$0x3FAA]  }
0x2b: {  	s6 =	sld [smem:$0x3FAB]  }
0x2c: {  	s7 =	sld [smem:$0x3FAC]  }
0x2d: {  	s3 =	simm.s32 $0x108;
	s8 =	sld [smem:$0x3FAD]  }
0x2e: {  	s3 =	simm.s32 @!p0 $0x1082;
	s9 =	sld [smem:$0x3FAE]  }
0x2f: {  	lr =	sadd.s32 s0, s3;
	s0 =	sld [smem:$0x3FA5]  }
0x30: {  	s3 =	sld [smem:$0x3FA8]  }
0x31: {  	[smem:$0x3FB1] =	sst s10  }
0x32: {  	s10 =	sld [smem:$0x3FAF];
	_ =	sdelay $0x3  }
0x33: {  	p0 =	seq.s32 s10, $0x1;
	s10 =	sld [smem:$0x3FB1];
	_ =	sdelay $0x3  }
0x34: {  	[smem:$0x3FB1] =	sst s10  }
0x35: {  	s10 =	sld [smem:$0x3FB0];
	_ =	sdelay $0x3  }
0x36: {  	p1 =	seq.s32 s10, $0x1;
	s10 =	sld [smem:$0x3FB1];
	_ =	sdelay $0x3  }
0x37: {  	[smem:$0x3FB1] =	sst s10  }
0x38: {  	s10 =	sld [smem:$0x3FB2]  }
0x39: {  	_ = 	snop;
	(pc) =	sbr.ind lr, $3  }
0x3a: {  	_ = 	snop  }
0x3b: {  	_ = 	snop  }
0x3c: {  	p2 =	seq.s32 s10, $0x1;
	s10 =	sld [smem:$0x3FB1]  }
0x3d: {  	_ =	shalt  }
0x3e: {  	_ =	shalt  }
0x3f: {  	_ =	shalt  }
0x40: {  	_ =	shalt  }
0x41: {  	_ =	shalt  }
0x42: {  	_ =	shalt  }
0x43: {  	_ =	shalt  }
0x44: {  	_ =	shalt  }
0x45: {  	_ =	shalt  }
0x46: {  	_ =	shalt  }
0x47: {  	_ =	shalt  }
0x48: {  	_ =	shalt  }
0x49: {  	_ =	shalt  }
0x4a: {  	_ =	shalt  }
0x4b: {  	_ =	shalt  }
0x4c: {  	_ =	shalt  }
0x4d: {  	_ =	shalt  }
0x4e: {  	_ =	shalt  }
0x4f: {  	_ =	shalt  }
0x50: {  	_ =	shalt  }
0x51: {  	_ =	shalt  }
0x52: {  	_ =	shalt  }
0x53: {  	_ =	shalt  }
0x54: {  	_ =	shalt  }
0x55: {  	_ =	shalt  }
0x56: {  	_ =	shalt  }
0x57: {  	_ =	shalt  }
0x58: {  	_ =	shalt  }
0x59: {  	_ =	shalt  }
0x5a: {  	_ =	shalt  }
0x5b: {  	_ =	shalt  }
0x5c: {  	_ =	shalt  }
0x5d: {  	_ =	shalt  }
0x5e: {  	_ =	shalt  }
0x5f: {  	_ =	shalt  }
0x60: {  	_ =	shalt  }
0x61: {  	_ =	shalt  }
0x62: {  	_ =	shalt  }
0x63: {  	_ =	shalt  }
0x64: {  	_ =	shalt  }
0x65: {  	_ =	shalt  }
0x66: {  	_ =	shalt  }
0x67: {  	_ =	shalt  }
0x68: {  	_ =	shalt  }
0x69: {  	_ =	shalt  }
0x6a: {  	_ =	shalt  }
0x6b: {  	_ =	shalt  }
0x6c: {  	_ =	shalt  }
0x6d: {  	_ =	shalt  }
0x6e: {  	_ =	shalt  }
0x6f: {  	_ =	shalt  }
0x70: {  	_ =	shalt  }
0x71: {  	_ =	shalt  }
0x72: {  	_ =	shalt  }
0x73: {  	_ =	shalt  }
0x74: {  	_ =	shalt  }
0x75: {  	_ =	shalt  }
0x76: {  	_ =	shalt  }
0x77: {  	_ =	shalt  }
0x78: {  	_ =	shalt  }
0x79: {  	_ =	shalt  }
0x7a: {  	_ =	shalt  }
0x7b: {  	_ =	shalt  }
0x7c: {  	_ =	shalt  }
0x7d: {  	_ =	shalt  }
0x7e: {  	_ =	shalt  }
0x7f: {  	_ =	shalt  }
0x80: {  	_ =	shalt  }
0x81: {  	_ =	shalt  }
0x82: {  	_ =	shalt  }
0x83: {  	_ =	shalt  }
0x84: {  	_ =	shalt  }
0x85: {  	_ =	shalt  }
0x86: {  	_ =	shalt  }
0x87: {  	_ =	shalt  }
.Lfunc_end0:
.L_simem_size_0:
called_computation_lowered:
.L_overlay_start_0:
0x88: {  	s2 =	sld [smem:$0x3FD9]  }
0x89: {  	s3 =	sld [smem:$0x3FFE];
	_ =	sdelay $0x1  }
0x8a: {  	s1 =	srdreg.scid  }
0x8b: {  	s0 =	sand.u32 $0x1, s1  }
0x8c: {  	s14 =	sshll.u32 s0, $0xA;
	s2 =	sadd.s32 s3, s2  }
0x8d: {  	s2 =	sadd.s32 s2, s14  }
0x8e: {  	[smem:$0x3FBD] =	sst s2  }
0x8f: {  	_ = 	snop  }
0x90: {  	s2 =	sld [smem:$0x3FD0];
	_ =	sdelay $0x2  }
0x91: {  	s15 =	simm.s32 $0xA;
	s4 =	simm.s32 $0x10  }
0x92: {  	[smem:s4], [sflag:s15] =	dma.local [hbm:s2], $0x1  }
0x93: {  	_ =	swait.eq [sflag:s15], $0x1  }
0x94: {  	[sflag:s15] =	ssyncset.done $0x0  }
0x95: {  	[sflag:s15] =	ssyncadd.s32 $0xFFFFFFFF  }
0x96: {  	s16 =	sld [smem:$0x10];
	(tm) =	ssettm $0x1  }
0x97: {  	s17 =	sld [smem:$0x3FFB];
	_ =	sdelay $0x3  }
0x98: {  	_ =	strace s17  }
0x99: {  	s3 =	sld [smem:$0x3FFC];
	_ =	sdelay $0x3  }
0x9a: {  	_ =	strace s3  }
0x9b: {  	s3 =	sld [smem:$0x3FFD];
	_ =	sdelay $0x3  }
0x9c: {  	_ =	strace s3  }
0x9d: {  	_ =	strace $0x8FFFFFFF  }
0x9e: {  	s18 =	sld [smem:$0x3FDB];
	_ =	sdelay $0x1  }
0x9f: {  	s19 =	simm.s32 $_scs_section_size  }
0xa0: {  	s5 =	simm.s32 $_size__tile_overlayer_lowered;
	s6 =	simm.s32 $_tile_overlayer_lowered  }
0xa1: {  	s22 =	simm.s32 $0x1BFF;
	s21 =	sshll.u32 s6, $0x1;
	s3 =	sadd.s32 s19, s18  }
0xa2: {  	s7 =	simm.s32 $0x0;
	s20 =	sshll.u32 s5, $0x1;
	s5 =	sadd.s32 s21, s3  }
0xa3: {  	[timem:s7], [sflag:s22] =	dma.local [hbm:s5], s20  }
0xa4: {  	_ =	swait.ge [sflag:s22], s20  }
0xa5: {  	s4 =	ssub.s32 $0x0, s20;
	[sflag:s22] =	ssyncset.done $0x0  }
0xa6: {  	[sflag:s22] =	ssyncadd.s32 s4;
	_ =	sdelay $0x1  }
0xa7: {  	s23 =	simm.s32 $0x1B8B  }
0xa8: {  	_ =	swait.ge [sflag:s23], $0x1  }
0xa9: {  	[sflag:s23] =	ssyncset.done $0x0  }
0xaa: {  	s25 =	simm.s32 $0x1B8E;
	s24 =	sld [smem:$0x3FFE];
	[sflag:s23] =	ssyncadd.s32 $0xFFFFFFFF  }
0xab: {  	s26 =	simm.s32 $execute0_lowered;
	[smem:$0x3FD2] =	sst s25  }
0xac: {  	s5 =	sshll.u32 s26, $0x1;
	_ =	strace $0x80000049;
	[dreg:$0x1] =	wrdreg $0xFFFFFFFF  }
0xad: {  	s28 =	simm.s32 $_size_execute0_lowered;
	s3 =	sadd.s32 s3, s5;
	[dreg:$0x0] =	wrdreg $0x0  }
0xae: {  	s5 =	sshll.u32 s28, $0x1;
	[dreg:$0x2] =	wrdreg s3  }
0xaf: {  	[dreg:$0x3] =	wrdreg s5  }
0xb0: {  	[dreg:$0x4] =	wrdreg $0xC0  }
0xb1: {  	_ =	task [dreg:s7], $0x5FFFF  }
0xb2: {  	[dreg:$0x1] =	wrdreg $0xFFFFFFFF  }
0xb3: {  	[dreg:$0x0] =	wrdreg $0x60  }
0xb4: {  	[dreg:$0x2] =	wrdreg s24  }
0xb5: {  	[dreg:$0x3] =	wrdreg s16  }
0xb6: {  	[dreg:$0x4] =	wrdreg $0x9  }
0xb7: {  	_ =	task.clear_ibuf [dreg:s7], $0x5FFFF;
	_ =	strace $0x90000049  }
0xb8: {  	s29 =	simm.s32 $0x9;
	_ =	strace $0x8000004B  }
0xb9: {  	_ =	swait.ge [sflag:s29], $0x1  }
0xba: {  	[sflag:s29] =	ssyncadd.s32 $0xFFFFFFFF  }
0xbb: {  	_ =	strace $0x9000004B  }
0xbc: {  	_ =	sfence  }
0xbd: {  	s30 =	sld [smem:$0x0];
	_ =	sdelay $0x2  }
0xbe: {  	s31 =	sshll.u32 s1, $0xD;
	s1 =	sshrl.u32 s1, $0x2  }
0xbf: {  	s3 =	sand.u32 $0x4000, s31;
	s1 =	sadd.s32 s1, s30  }
0xc0: {  	s0 =	sor.u32 s3, s0;
	s1 =	sshll.u32 s1, $0x11  }
0xc1: {  	s0 =	sor.u32 s1, s0  }
0xc2: {  	s0 =	sadd.s32 $0x8F2B, s0  }
0xc3: {  	[sflag:s0] =	ssyncadd.remote.s32 $0x1  }
0xc4: {  	_ =	sfence.sel $0xFFFF  }
0xc5: {  	[dreg:$0x0] =	wrdreg $0xFFFFFFFF;
	(pc) =	sbr.abs _section_cstart, $3  }
0xc6: {  	[dreg:$0x1] =	wrdreg $0xFFFFFFFF  }
0xc7: {  	_ =	task.clear_ibuf [dreg:s7], $0x2FFFF;
	_ =	strace $0x9FFFFFFF  }
0xc8: {  	(tm) =	ssettm $0x7FFFFFFF  }
0xc9: {  	_ =	shalt  }
tec
execute0_lowered:
.L_overlay_start_1:
0x0: {  	(tag) =	ssettag $0x1  }
0x1: {  	s7 =	rddreg [dreg:$0x0]  }
0x2: {  	s2 =	rddreg [dreg:$0x1]  }
0x3: {  	s0 =	rddreg [dreg:$0x2]  }
0x4: {  	s1 =	srdreg.scid;
	_ =	strace $0x8000004A;
	s4 =	simm.s32 $0x1  }
0x5: {  	s9 =	simm.s32 $0x3;
	s11 =	simm.s32 $0x0;
	s5 =	sshll.u32 s1, $0x4  }
.Ltmp0:
0x6: {  	s1 =	stileid.u32;
	s5 =	sand.u32 $0x10, s5;
	(pc) =	sbr.rel .LBB2_1-.Ltmp0, $4  }
0x7: {  	p0 =	por $0x0, $0x0;
	s3 =	sadd.s32 $0xC000, s7;
	s6 =	sor.u32 s1, s5  }
0x8: {  	[sflag:s4] =	ssyncpa.u1 $0x0;
	s5 =	simm.s32 $0x2;
	s6 =	sshll.u32 s6, $0xA  }
0x9: {  	s7 =	sadd.s32 $0x8C000, s7;
	[sflag:s5] =	ssyncpa.u1 $0x0;
	s8 =	sadd.s32 $0x400, s6  }
0xa: {  	vm0 =	vmmov $0xff;
	vm1 =	vcmask $0x3F20;
	[sflag:s9] =	ssyncpa.u1 $0x0;
	s10 =	smov.u32 s6;
	s9 =	simm.s32 $0x0  }
.LBB2_7:
0xb: {  	p1 =	slt.u32 s9, $0x2;
	s11 =	sadd.s32 $0x100, s10  }
0xc: {  	s13 =	smov.u32 s6;
	s9 =	sadd.s32 $0x1, s9;
	p2 =	slt.s32 s11, s8  }
0xd: {  	s13 =	smov.u32 @p2 s11;
	p2 =	sne.s32 s9, $0x6  }
.Ltmp1:
0xe: {  	_ = 	snop;
	(pc) =	sbr.rel @!p2 .LBB2_8-.Ltmp1, $4  }
0xf: {  	s12 =	simm.s32 @!p1 $0x3  }
0x10: {  	_ =	swait.ge @!p1 [sflag:s12], $0x8000  }
0x11: {  	p0 =	por !p0, !p0;
	[sflag:s12] =	ssyncset.done @!p1 $0x0  }
0x12: {  	s11 =	smov.u32 s10;
	s10 =	smov.u32 s13;
	[sflag:s12] =	ssyncadd.s32 @!p1 $0xFFFF8000  }
.LBB2_1:
0x13: {  	p1 =	sgt.u32 s9, $0x3  }
0x14: {  	s12 =	sxor.u32 @!p1 $0xFFFFFFFF, s9  }
0x15: {  	s13 =	sshrl.u32 @!p1 s10, $0x3;
	s12 =	sshll.u32 @!p1 s12, $0x8  }
0x16: {  	s14 =	sand.u32 @!p1 $0x7, s10;
	s13 =	sadd.s32 @!p1 s2, s13;
	s12 =	sand.u32 @!p1 $0x100, s12  }
0x17: {  	[tilespmem:s12], [sflag:$0x2] =	stream.linear.gather @!p1 [hbm4b:s13+s14], $0x100, $0x38;
	[tilespmem:$0x10200] =	vst v63  }
0x18: {  	p1 =	seq.s32 s9, $0x0  }
0x19: {  	p2 =	seq.s32 @!p1 s9, $0x5  }
0x1a: {  	p1 =	por p1, p2  }
.Ltmp2:
0x1b: {  	_ = 	snop;
	(pc) =	sbr.rel @p1 .LBB2_7-.Ltmp2, $1  }
0x1c: {  	_ =	sdelay $0x3  }
0x1d: {  	s12 =	simm.s32 $0x1  }
0x1e: {  	_ =	swait.ge [sflag:s5], $0x100;
	s12 =	simm.s32 @!p0 $0x0  }
0x1f: {  	[sflag:s5] =	ssyncset.done $0x0;
	s14 =	sshll.u32 s12, $0x8  }
0x20: {  	[sflag:s5] =	ssyncadd.s32 $0xFFFFFF00;
	s13 =	sadd.s32 $0x0, s14  }
0x21: {  	v0 =	vld.msk [tilespmem:s13+$0x0 ss:$0x1], $0xffff;
	_ =	sdelay $0x4  }
0x22: {  	v1 =	vshll.u32 v0, $0x3  }
0x23: {  	vm2 =	veq.s32 v0, $0x80000000;
	v0 =	vshll.u32 v0, $0x12;
	v1 =	vand.u32 $0x3FF80, v1  }
0x24: {  	v0 =	vand.u32 $0x3C0000, v0;
	v1 =	vsel vm2, $0xFFFFFF80, v1  }
0x25: {  	v0 =	vsel vm2, $0xFFFC0000, v0;
	v2 =	vand.u32 $0xFFFFFC00, v1  }
0x26: {  	v1 =	vand.u32 $0x380, v1;
	v0 =	vadd.s32 v0, v2  }
0x27: {  	v0 =	vor.u32 v1, v0  }
0x28: {  	v0 =	vshrl.u32 v0, $0x3;
	_ =	sdelay $0x2  }
0x29: {  	s12 =	sshll.u32 s12, $0xF  }
0x2a: {  	s12 =	sor.u32 $0x200, s12  }
0x2b: {  	[tilespmem:s12], [sflag:$0x1] =	stream.indirect_vreg.gather [hbm:s3], $0x80, v0, vm0, $0x38;
	[tilespmem:$0x10200] =	vst v63  }
0x2c: {  	s15 =	sadd.s32 $0x10, s14;
	s13 =	sadd.s32 $0x400, s12  }
0x2d: {  	[tilespmem:s13], [sflag:$0x1] =	stream.indirect_vreg.gather [hbm:s3], $0x80, v0, vm1, $0x38;
	[tilespmem:$0x10200] =	vst v63  }
0x2e: {  	s16 =	simm.s32 $0x80;
	v0 =	vld.msk [tilespmem:s15+$0x0 ss:$0x1], $0xffff;
	s15 =	smov.u32 s12  }
.LBB2_3:
0x2f: {  	p1 =	sne.s32 s16, $0x3C0;
	_ =	sdelay $0x4  }
0x30: {  	v1 =	vshll.u32 v0, $0x3  }
0x31: {  	vm2 =	veq.s32 v0, $0x80000000;
	v0 =	vshll.u32 v0, $0x12;
	v1 =	vand.u32 $0x3FF80, v1  }
0x32: {  	v0 =	vand.u32 $0x3C0000, v0;
	v1 =	vsel vm2, $0xFFFFFF80, v1  }
0x33: {  	v0 =	vsel vm2, $0xFFFC0000, v0;
	v2 =	vand.u32 $0xFFFFFC00, v1  }
0x34: {  	v1 =	vand.u32 $0x380, v1;
	v0 =	vadd.s32 v0, v2  }
0x35: {  	v0 =	vor.u32 v1, v0  }
0x36: {  	v0 =	vshrl.u32 v0, $0x3;
	_ =	sdelay $0x3  }
.Ltmp3:
0x37: {  	s17 =	sshra.s32 s16, $0x2;
	s15 =	sadd.s32 $0x800, s15;
	(pc) =	sbr.rel @p1 .LBB2_3-.Ltmp3, $4  }
0x38: {  	[tilespmem:s15], [sflag:$0x1] =	stream.indirect_vreg.gather [hbm:s3], $0x80, v0, vm0, $0x38;
	[tilespmem:$0x10200] =	vst v63  }
0x39: {  	s17 =	sadd.s32 s17, s14;
	s18 =	sadd.s32 $0x400, s15  }
0x3a: {  	[tilespmem:s18], [sflag:$0x1] =	stream.indirect_vreg.gather [hbm:s3], $0x80, v0, vm1, $0x38;
	[tilespmem:$0x10200] =	vst v63  }
0x3b: {  	s16 =	sadd.s32 $0x40, s16;
	v0 =	vld.msk [tilespmem:s17+$0x0 ss:$0x1], $0xffff  }
0x3c: {  	_ =	sdelay $0x3  }
0x3d: {  	v1 =	vshll.u32 v0, $0x3  }
0x3e: {  	vm2 =	veq.s32 v0, $0x80000000;
	v63 =	vshll.u32 v0, $0x12;
	v1 =	vand.u32 $0x3FF80, v1  }
0x3f: {  	v0 =	vand.u32 $0x3C0000, v63;
	v1 =	vsel vm2, $0xFFFFFF80, v1  }
0x40: {  	v0 =	vsel vm2, $0xFFFC0000, v0;
	v2 =	vand.u32 $0xFFFFFC00, v1  }
0x41: {  	v1 =	vand.u32 $0x380, v1;
	v0 =	vadd.s32 v0, v2  }
0x42: {  	v0 =	vor.u32 v1, v0  }
0x43: {  	v0 =	vshrl.u32 v0, $0x3;
	_ =	sdelay $0x3  }
0x44: {  	s14 =	sadd.s32 $0x800, s15  }
0x45: {  	[tilespmem:s14], [sflag:$0x1] =	stream.indirect_vreg.gather [hbm:s3], $0x80, v0, vm0, $0x38;
	[tilespmem:$0x10200] =	vst v63  }
0x46: {  	s14 =	sadd.s32 $0x400, s14  }
0x47: {  	[tilespmem:s14], [sflag:$0x1] =	stream.indirect_vreg.gather [hbm:s3], $0x80, v0, vm1, $0x38;
	[tilespmem:$0x10200] =	vst v63  }
0x48: {  	s11 =	sshll.u32 s11, $0x4;
	_ =	swait.ge [sflag:s4], $0x8000  }
0x49: {  	s11 =	sadd.s32 s11, s7;
	[sflag:s4] =	ssyncset.done $0x0  }
0x4a: {  	s15 =	sadd.s32 $0x0, s11;
	s14 =	simm.s32 $0x80;
	[sflag:s4] =	ssyncadd.s32 $0xFFFF8000  }
.LBB2_5:
0x4b: {  	[hbm:s15] =	stream.linear.scatter [tilespmem:s12], [sflag:$0x3], $0x400, $0x38;
	[tilespmem:$0x10200] =	vst v63  }
0x4c: {  	s15 =	smov.u32 s14;
	s12 =	smov.u32 s13;
	p1 =	sne.s32 s14, $0xF80  }
.Ltmp4:
0x4d: {  	s14 =	sadd.s32 $0x80, s14;
	(pc) =	sbr.rel @p1 .LBB2_5-.Ltmp4, $2  }
0x4e: {  	_ =	sdelay $0x2  }
0x4f: {  	s13 =	sadd.s32 $0x400, s13;
	s15 =	sadd.s32 s15, s11  }
.Ltmp5:
0x50: {  	(pc) =	sbr.rel .LBB2_7-.Ltmp5, $2  }
0x51: {  	_ =	sdelay $0x2  }
0x52: {  	[hbm:s15] =	stream.linear.scatter [tilespmem:s12], [sflag:$0x3], $0x400, $0x38;
	[tilespmem:$0x10200] =	vst v63  }
.LBB2_8:
0x53: {  	_ =	sfence.sel $0x180000  }
0x54: {  	s2 =	simm.s32 $0x2;
	[bflag:$0x0] =	sbarrier.arrive $0xFFFF  }
0x55: {  	s30 =	simm.s32 $0x3;
	[sflag:s2] =	ssyncpa.u1 $0x1  }
0x56: {  	s31 =	simm.s32 $0x1;
	[sflag:s30] =	ssyncpa.u1 $0x1  }
0x57: {  	[sflag:s31] =	ssyncpa.u1 $0x1  }
0x58: {  	p0 =	sne.s32 s1, $0x0;
	_ =	strace $0x9000004A  }
0x59: {  	s0 =	sadd.s32 @!p0 $0x100000, s0;
	[bflag:$0x2] =	sbarrier.arrive $0xFFFF  }
0x5a: {  	[sflag:s0] =	ssyncadd.tile.s32 @!p0 $0x1;
	_ =	shalt  }
.Lfunc_end2:
_tile_overlayer_lowered:
.L_overlay_start_2:
0x5b: {  	(tag) =	ssettag $0x2  }
0x5c: {  	s0 =	rddreg [dreg:$0x0];
	s2 =	stileid.u32  }
0x5d: {  	s1 =	rddreg [dreg:$0x1];
	p0 =	sne.s32 s2, $0x0  }
0x5e: {  	s3 =	rddreg [dreg:$0x2];
	[bflag:$0x3] =	sbarrier.arrive $0xFFFF;
	s2 =	simm.s32 @!p0 $0x1C01  }
0x5f: {  	[timem:s3], [sflag:s2] =	dma.local @!p0 [hbm:s0], s1  }
0x60: {  	s0 =	simm.s32 @!p0 $0x1  }
0x61: {  	_ =	swait.ge @!p0 [sflag:s0], s1  }
0x62: {  	s1 =	ssub.s32 @!p0 $0x0, s1;
	[sflag:s0] =	ssyncset.done @!p0 $0x0  }
0x63: {  	[sflag:s0] =	ssyncadd.s32 @!p0 s1  }
0x64: {  	[bflag:$0x3] =	sbarrier.arrive $0xFFFF  }
0x65: {  	_ =	shalt  }

// kernel: kernel.3.cloned.1.call-start
scs
__scs_entry_jumppad:
0x0: {  	(pc) =	sbr.rel $0x88, $3  }
0x1: {  	(tag) =	ssettag $0x0;
	lr =	simm.s32 $0x1  }
0x2: {  	[smem:$0x3F96] =	sst lr;
	_ =	strace $0xD0000000  }
0x3: {  	_ = 	snop  }
0x4: {  	_ = 	snop  }
0x5: {  	_ = 	snop  }
0x6: {  	_ = 	snop  }
0x7: {  	_ = 	snop  }
__scs_overlays_trampoline_lowered:
0x8: {  	[smem:$0x3FA5] =	sst s0  }
0x9: {  	[smem:$0x3FA6] =	sst s1  }
0xa: {  	[smem:$0x3FA7] =	sst s2  }
0xb: {  	[smem:$0x3FA8] =	sst s3  }
0xc: {  	[smem:$0x3FA9] =	sst s4  }
0xd: {  	[smem:$0x3FAA] =	sst s5  }
0xe: {  	[smem:$0x3FAB] =	sst s6  }
0xf: {  	[smem:$0x3FAC] =	sst s7  }
0x10: {  	[smem:$0x3FAD] =	sst s8  }
0x11: {  	[smem:$0x3FAE] =	sst s9;
	s0 =	simm.s32 @!p0 $0x0  }
0x12: {  	s1 =	sld [smem:$0x3F94];
	s0 =	simm.s32 @p0 $0x1  }
0x13: {  	[smem:$0x3FAF] =	sst s0;
	s0 =	simm.s32 @!p1 $0x0  }
0x14: {  	s2 =	sld [smem:$0x3F93];
	s0 =	simm.s32 @p1 $0x1  }
0x15: {  	[smem:$0x3FB0] =	sst s0;
	s0 =	simm.s32 @!p2 $0x0  }
0x16: {  	s3 =	sld [smem:$0x3FDB];
	s0 =	simm.s32 @p2 $0x1  }
0x17: {  	s4 =	simm.s32 $0x1BF5;
	[smem:$0x3FB2] =	sst s0  }
0x18: {  	s0 =	sld [smem:$0x3F95];
	_ =	swait.ge [sflag:s4], $0x0  }
0x19: {  	s7 =	sld [smem:$0x3F96]  }
0x1a: {  	s8 =	sadd.s32 $0xFFFFE003, lr  }
0x1b: {  	s9 =	sadd.s32 $0xFFFFFEF7, lr;
	s5 =	simm.s32 $0xFFFFFFFF;
	p2 =	slt.u32 s8, $0xFFFFF086  }
0x1c: {  	p1 =	slt.u32 s9, $0xF7A;
	s5 =	simm.s32 @!p2 $0x0  }
0x1d: {  	s5 =	simm.s32 @p1 $0x1;
	p0 =	seq.s32 s7, s2  }
0x1e: {  	s7 =	smul.u32 @!p0 $0xF7A, s2;
	p2 =	seq.s32 @!p0 s5, $0x0  }
0x1f: {  	s9 =	smul.u32 $0xF7A, s1;
	s8 =	simm.s32 @!p0 $0x1BF5;
	p2 =	por !p2, p0  }
0x20: {  	[sflag:s8] =	ssyncset.s32 @!p0 $0xFFFFF086;
	s6 =	sadd.s32 @!p0 s3, s7;
	s7 =	simm.s32 @!p0 $0x108  }
0x21: {  	s3 =	sadd.s32 s3, s9;
	s6 =	sadd.s32 @!p0 $0x88, s6;
	s7 =	simm.s32 @p2 $0x1082  }
0x22: {  	[simem:s7], [sflag:s8] =	dma.local @!p0 [hbm:s6], $0xF7A  }
0x23: {  	s9 =	sor.u32 $0xD0000000, s2;
	s6 =	simm.s32 $0x108;
	_ =	swait.ge @!p0 [sflag:s8], $0x0  }
0x24: {  	s3 =	sadd.s32 $0x88, s3;
	s6 =	simm.s32 @!p1 $0x1082;
	[sflag:s4] =	ssyncset.s32 $0xFFFFF086  }
0x25: {  	[simem:s6], [sflag:s4] =	dma.local [hbm:s3], $0xF7A  }
0x26: {  	[smem:$0x3F96] =	sst s1;
	(tag) =	ssettag s2;
	_ =	strace s9  }
0x27: {  	s1 =	sld [smem:$0x3FA6]  }
0x28: {  	s2 =	sld [smem:$0x3FA7]  }
0x29: {  	s4 =	sld [smem:$0x3FA9]  }
0x2a: {  	p0 =	seq.s32 s5, $0x0;
	s5 =	sld [smem:$0x3FAA]  }
0x2b: {  	s6 =	sld [smem:$0x3FAB]  }
0x2c: {  	s7 =	sld [smem:$0x3FAC]  }
0x2d: {  	s3 =	simm.s32 $0x108;
	s8 =	sld [smem:$0x3FAD]  }
0x2e: {  	s3 =	simm.s32 @!p0 $0x1082;
	s9 =	sld [smem:$0x3FAE]  }
0x2f: {  	lr =	sadd.s32 s0, s3;
	s0 =	sld [smem:$0x3FA5]  }
0x30: {  	s3 =	sld [smem:$0x3FA8]  }
0x31: {  	[smem:$0x3FB1] =	sst s10  }
0x32: {  	s10 =	sld [smem:$0x3FAF];
	_ =	sdelay $0x3  }
0x33: {  	p0 =	seq.s32 s10, $0x1;
	s10 =	sld [smem:$0x3FB1];
	_ =	sdelay $0x3  }
0x34: {  	[smem:$0x3FB1] =	sst s10  }
0x35: {  	s10 =	sld [smem:$0x3FB0];
	_ =	sdelay $0x3  }
0x36: {  	p1 =	seq.s32 s10, $0x1;
	s10 =	sld [smem:$0x3FB1];
	_ =	sdelay $0x3  }
0x37: {  	[smem:$0x3FB1] =	sst s10  }
0x38: {  	s10 =	sld [smem:$0x3FB2]  }
0x39: {  	_ = 	snop;
	(pc) =	sbr.ind lr, $3  }
0x3a: {  	_ = 	snop  }
0x3b: {  	_ = 	snop  }
0x3c: {  	p2 =	seq.s32 s10, $0x1;
	s10 =	sld [smem:$0x3FB1]  }
0x3d: {  	_ =	shalt  }
0x3e: {  	_ =	shalt  }
0x3f: {  	_ =	shalt  }
0x40: {  	_ =	shalt  }
0x41: {  	_ =	shalt  }
0x42: {  	_ =	shalt  }
0x43: {  	_ =	shalt  }
0x44: {  	_ =	shalt  }
0x45: {  	_ =	shalt  }
0x46: {  	_ =	shalt  }
0x47: {  	_ =	shalt  }
0x48: {  	_ =	shalt  }
0x49: {  	_ =	shalt  }
0x4a: {  	_ =	shalt  }
0x4b: {  	_ =	shalt  }
0x4c: {  	_ =	shalt  }
0x4d: {  	_ =	shalt  }
0x4e: {  	_ =	shalt  }
0x4f: {  	_ =	shalt  }
0x50: {  	_ =	shalt  }
0x51: {  	_ =	shalt  }
0x52: {  	_ =	shalt  }
0x53: {  	_ =	shalt  }
0x54: {  	_ =	shalt  }
0x55: {  	_ =	shalt  }
0x56: {  	_ =	shalt  }
0x57: {  	_ =	shalt  }
0x58: {  	_ =	shalt  }
0x59: {  	_ =	shalt  }
0x5a: {  	_ =	shalt  }
0x5b: {  	_ =	shalt  }
0x5c: {  	_ =	shalt  }
0x5d: {  	_ =	shalt  }
0x5e: {  	_ =	shalt  }
0x5f: {  	_ =	shalt  }
0x60: {  	_ =	shalt  }
0x61: {  	_ =	shalt  }
0x62: {  	_ =	shalt  }
0x63: {  	_ =	shalt  }
0x64: {  	_ =	shalt  }
0x65: {  	_ =	shalt  }
0x66: {  	_ =	shalt  }
0x67: {  	_ =	shalt  }
0x68: {  	_ =	shalt  }
0x69: {  	_ =	shalt  }
0x6a: {  	_ =	shalt  }
0x6b: {  	_ =	shalt  }
0x6c: {  	_ =	shalt  }
0x6d: {  	_ =	shalt  }
0x6e: {  	_ =	shalt  }
0x6f: {  	_ =	shalt  }
0x70: {  	_ =	shalt  }
0x71: {  	_ =	shalt  }
0x72: {  	_ =	shalt  }
0x73: {  	_ =	shalt  }
0x74: {  	_ =	shalt  }
0x75: {  	_ =	shalt  }
0x76: {  	_ =	shalt  }
0x77: {  	_ =	shalt  }
0x78: {  	_ =	shalt  }
0x79: {  	_ =	shalt  }
0x7a: {  	_ =	shalt  }
0x7b: {  	_ =	shalt  }
0x7c: {  	_ =	shalt  }
0x7d: {  	_ =	shalt  }
0x7e: {  	_ =	shalt  }
0x7f: {  	_ =	shalt  }
0x80: {  	_ =	shalt  }
0x81: {  	_ =	shalt  }
0x82: {  	_ =	shalt  }
0x83: {  	_ =	shalt  }
0x84: {  	_ =	shalt  }
0x85: {  	_ =	shalt  }
0x86: {  	_ =	shalt  }
0x87: {  	_ =	shalt  }
.Lfunc_end0:
.L_simem_size_0:
called_computation.1_lowered:
.L_overlay_start_0:
0x88: {  	s2 =	sld [smem:$0x3FD9]  }
0x89: {  	s3 =	sld [smem:$0x3FFE];
	_ =	sdelay $0x1  }
0x8a: {  	s1 =	srdreg.scid  }
0x8b: {  	s0 =	sand.u32 $0x1, s1  }
0x8c: {  	s14 =	sshll.u32 s0, $0xA;
	s2 =	sadd.s32 s3, s2  }
0x8d: {  	s2 =	sadd.s32 s2, s14  }
0x8e: {  	[smem:$0x3FBD] =	sst s2  }
0x8f: {  	_ = 	snop  }
0x90: {  	s2 =	sld [smem:$0x3FD0];
	_ =	sdelay $0x2  }
0x91: {  	s15 =	simm.s32 $0xA;
	s4 =	simm.s32 $0x10  }
0x92: {  	[smem:s4], [sflag:s15] =	dma.local [hbm:s2], $0x1  }
0x93: {  	_ =	swait.eq [sflag:s15], $0x1  }
0x94: {  	[sflag:s15] =	ssyncset.done $0x0  }
0x95: {  	[sflag:s15] =	ssyncadd.s32 $0xFFFFFFFF  }
0x96: {  	s16 =	sld [smem:$0x10];
	(tm) =	ssettm $0x1  }
0x97: {  	s17 =	sld [smem:$0x3FFB];
	_ =	sdelay $0x3  }
0x98: {  	_ =	strace s17  }
0x99: {  	s3 =	sld [smem:$0x3FFC];
	_ =	sdelay $0x3  }
0x9a: {  	_ =	strace s3  }
0x9b: {  	s3 =	sld [smem:$0x3FFD];
	_ =	sdelay $0x3  }
0x9c: {  	_ =	strace s3  }
0x9d: {  	_ =	strace $0x8FFFFFFF  }
0x9e: {  	s18 =	sld [smem:$0x3FDB];
	_ =	sdelay $0x1  }
0x9f: {  	s19 =	simm.s32 $_scs_section_size  }
0xa0: {  	s5 =	simm.s32 $_size__tile_overlayer_lowered;
	s6 =	simm.s32 $_tile_overlayer_lowered  }
0xa1: {  	s22 =	simm.s32 $0x1BFF;
	s21 =	sshll.u32 s6, $0x1;
	s3 =	sadd.s32 s19, s18  }
0xa2: {  	s7 =	simm.s32 $0x0;
	s20 =	sshll.u32 s5, $0x1;
	s5 =	sadd.s32 s21, s3  }
0xa3: {  	[timem:s7], [sflag:s22] =	dma.local [hbm:s5], s20  }
0xa4: {  	_ =	swait.ge [sflag:s22], s20  }
0xa5: {  	s4 =	ssub.s32 $0x0, s20;
	[sflag:s22] =	ssyncset.done $0x0  }
0xa6: {  	[sflag:s22] =	ssyncadd.s32 s4;
	_ =	sdelay $0x1  }
0xa7: {  	s23 =	simm.s32 $0x1B8B  }
0xa8: {  	_ =	swait.ge [sflag:s23], $0x1  }
0xa9: {  	[sflag:s23] =	ssyncset.done $0x0  }
0xaa: {  	s25 =	simm.s32 $0x1B8E;
	s24 =	sld [smem:$0x3FFE];
	[sflag:s23] =	ssyncadd.s32 $0xFFFFFFFF  }
0xab: {  	s26 =	simm.s32 $execute0_lowered;
	[smem:$0x3FD2] =	sst s25  }
0xac: {  	s5 =	sshll.u32 s26, $0x1;
	_ =	strace $0x80000046;
	[dreg:$0x1] =	wrdreg $0xFFFFFFFF  }
0xad: {  	s28 =	simm.s32 $_size_execute0_lowered;
	s3 =	sadd.s32 s3, s5;
	[dreg:$0x0] =	wrdreg $0x0  }
0xae: {  	s5 =	sshll.u32 s28, $0x1;
	[dreg:$0x2] =	wrdreg s3  }
0xaf: {  	[dreg:$0x3] =	wrdreg s5  }
0xb0: {  	[dreg:$0x4] =	wrdreg $0xC0  }
0xb1: {  	_ =	task [dreg:s7], $0x5FFFF  }
0xb2: {  	[dreg:$0x1] =	wrdreg $0xFFFFFFFF  }
0xb3: {  	[dreg:$0x0] =	wrdreg $0x60  }
0xb4: {  	[dreg:$0x2] =	wrdreg s24  }
0xb5: {  	[dreg:$0x3] =	wrdreg s16  }
0xb6: {  	[dreg:$0x4] =	wrdreg $0x9  }
0xb7: {  	_ =	task.clear_ibuf [dreg:s7], $0x5FFFF;
	_ =	strace $0x90000046  }
0xb8: {  	s29 =	simm.s32 $0x9;
	_ =	strace $0x80000048  }
0xb9: {  	_ =	swait.ge [sflag:s29], $0x1  }
0xba: {  	[sflag:s29] =	ssyncadd.s32 $0xFFFFFFFF  }
0xbb: {  	_ =	strace $0x90000048  }
0xbc: {  	_ =	sfence  }
0xbd: {  	s30 =	sld [smem:$0x0];
	_ =	sdelay $0x2  }
0xbe: {  	s31 =	sshll.u32 s1, $0xD;
	s1 =	sshrl.u32 s1, $0x2  }
0xbf: {  	s3 =	sand.u32 $0x4000, s31;
	s1 =	sadd.s32 s1, s30  }
0xc0: {  	s0 =	sor.u32 s3, s0;
	s1 =	sshll.u32 s1, $0x11  }
0xc1: {  	s0 =	sor.u32 s1, s0  }
0xc2: {  	s0 =	sadd.s32 $0x8F2B, s0  }
0xc3: {  	[sflag:s0] =	ssyncadd.remote.s32 $0x1  }
0xc4: {  	_ =	sfence.sel $0xFFFF  }
0xc5: {  	[dreg:$0x0] =	wrdreg $0xFFFFFFFF;
	(pc) =	sbr.abs _section_cstart, $3  }
0xc6: {  	[dreg:$0x1] =	wrdreg $0xFFFFFFFF  }
0xc7: {  	_ =	task.clear_ibuf [dreg:s7], $0x2FFFF;
	_ =	strace $0x9FFFFFFF  }
0xc8: {  	(tm) =	ssettm $0x7FFFFFFF  }
0xc9: {  	_ =	shalt  }
tec
execute0_lowered:
.L_overlay_start_1:
0x0: {  	(tag) =	ssettag $0x1  }
0x1: {  	s1 =	srdreg.scid  }
0x2: {  	s2 =	sand.u32 $0x1, s1  }
0x3: {  	p0 =	seq.s32 s2, $0x1  }
.Ltmp0:
0x4: {  	_ = 	snop;
	(pc) =	sbr.rel @p0 .LBB2_8-.Ltmp0, $4  }
0x5: {  	s4 =	rddreg [dreg:$0x0]  }
0x6: {  	s3 =	rddreg [dreg:$0x1];
	s5 =	simm.s32 $0x0  }
0x7: {  	[smem:$0x7FF] =	sst s5  }
0x8: {  	s0 =	rddreg [dreg:$0x2];
	s1 =	stileid.u32;
	_ =	strace $0x80000047  }
0x9: {  	s2 =	sshll.u32 s2, $0x4  }
0xa: {  	s2 =	sor.u32 s1, s2  }
0xb: {  	s6 =	smul.u32 $0xC00, s2;
	_ =	sdelay $0x1  }
0xc: {  	s25 =	simm.s32 $0x1;
	s7 =	smul.u32 $0x3, s2;
	s6 =	sadd.s32 s4, s6  }
0xd: {  	[tilespmem:s5], [sflag:$0x1] =	stream.linear.gather [hbm4b:s6+s5], $0x2000, $0x38;
	[tilespmem:$0x9800] =	vst v63  }
0xe: {  	s8 =	sadd.s32 $0x1, s7;
	_ =	swait.ge [sflag:s25], $0x2000  }
0xf: {  	s9 =	sshll.u32 s8, $0xA;
	[sflag:s25] =	ssyncset.done $0x0  }
0x10: {  	s10 =	simm.s32 $0x2000;
	s9 =	sadd.s32 s4, s9;
	[sflag:s25] =	ssyncadd.s32 $0xFFFFE000  }
0x11: {  	[tilespmem:s10], [sflag:$0x1] =	stream.linear.gather [hbm4b:s9+s5], $0x2000, $0x38;
	[tilespmem:$0x9800] =	vst v63  }
0x12: {  	s2 =	smul.u32 $0x300, s2;
	s7 =	sadd.s32 $0x2, s7;
	_ =	swait.ge [sflag:s25], $0x2000  }
0x13: {  	s29 =	simm.s32 $0x4000;
	s26 =	sshll.u32 s7, $0xA;
	[sflag:s25] =	ssyncset.done $0x0  }
0x14: {  	s2 =	sadd.s32 s3, s2;
	s28 =	sadd.s32 s4, s26;
	[sflag:s25] =	ssyncadd.s32 $0xFFFFE000  }
0x15: {  	[tilespmem:s29], [sflag:$0x1] =	stream.linear.gather [hbm4b:s28+s5], $0x2000, $0x38;
	[tilespmem:$0x9800] =	vst v63  }
0x16: {  	s30 =	sshll.u32 s8, $0x8;
	s31 =	sshll.u32 s7, $0x8;
	_ =	swait.ge [sflag:s25], $0x2000  }
0x17: {  	s6 =	simm.s32 $0x0;
	s4 =	sadd.s32 s3, s30;
	[sflag:s25] =	ssyncset.done $0x0  }
0x18: {  	v0 =	vimm.f32 $+Inf;
	s3 =	sadd.s32 s3, s31;
	s5 =	simm.s32 $0x40;
	[sflag:s25] =	ssyncadd.s32 $0xFFFFE000  }
.LBB2_2:
0x19: {  	p0 =	sne.s32 s5, $0x7FC0;
	[tilespmem:s6+$0x6000] =	vst v0;
	s6 =	smov.u32 s5;
	s5 =	sadd.s32 $0x40, s5  }
.Ltmp1:
0x1a: {  	(pc) =	sbr.rel @p0 .LBB2_2-.Ltmp1, $2  }
0x1b: {  	_ =	sdelay $0x2  }
0x1c: {  	s6 =	sshra.s32 s6, $0x2  }
0x1d: {  	[tilespmem:s6+$0x6000] =	vst v0  }
0x1e: {  	v0 =	vld [tilespmem:$0x0]  }
0x1f: {  	v1 =	vld [tilespmem:$0x2000]  }
0x20: {  	v2 =	vld [tilespmem:$0x4000];
	_ =	sdelay $0x1  }
0x21: {  	vm0 =	vmmov $0x1  }
0x22: {  	v0 =	vnsel vm0, $0x0, v0  }
0x23: {  	(xrf2) =	vadd.scan.msk.f32 $0xffff, v0;
	v0 =	vnsel vm0, $0x0, v1  }
0x24: {  	(xrf2) =	vadd.scan.msk.f32 $0xffff, v0;
	v0 =	vnsel vm0, $0x0, v2  }
0x25: {  	(xrf2) =	vadd.scan.msk.f32 $0xffff, v0;
	_ =	sdelay $0x7  }
0x26: {  	v0, _, _ =	vpop (xrf2)  }
0x27: {  	v1, _, _ =	vpop (xrf2)  }
0x28: {  	v4 =	vbroadcast v0, $0xF;
	v0, _, _ =	vpop (xrf2)  }
0x29: {  	v5 =	vbroadcast v1, $0xF;
	v6 =	vbroadcast v0, $0xF  }
0x2a: {  	v3 =	vlaneseq.u32  }
0x2b: {  	s5 =	simm.s32 $0x1;
	v0 =	vnsel vm0, $0x0, v4;
	v1 =	vnsel vm0, $0x0, v5;
	v2 =	vnsel vm0, $0x0, v6  }
.LBB2_4:
0x2c: {  	s6 =	simm.s32 $0x4040  }
0x2d: {  	v7 =	vld [tilespmem:s6+$0x30]  }
0x2e: {  	s7 =	simm.s32 $0x40;
	v8 =	vld [tilespmem:s6+$0x20]  }
0x2f: {  	s8 =	simm.s32 $0x2040;
	v9 =	vld [tilespmem:s7+$0x30]  }
0x30: {  	v10 =	vld [tilespmem:s8+$0x30]  }
0x31: {  	v11 =	vld [tilespmem:s6+$0x10]  }
0x32: {  	v12 =	vld [tilespmem:s7+$0x20]  }
0x33: {  	v13 =	vld [tilespmem:s8+$0x20]  }
0x34: {  	v14 =	vld [tilespmem:s6+$0x0]  }
0x35: {  	v15 =	vld [tilespmem:s7+$0x10]  }
0x36: {  	v16 =	vld [tilespmem:s8+$0x10]  }
0x37: {  	v17 =	vld [tilespmem:s6+$0xFFFFFFF0]  }
0x38: {  	v18 =	vld [tilespmem:s7+$0x0]  }
0x39: {  	v19 =	vld [tilespmem:s8+$0x0];
	v20 =	vsub.f32 v8, v6;
	v21 =	vsub.f32 v7, v6  }
0x3a: {  	v22 =	vld [tilespmem:s6+$0xFFFFFFE0];
	v23 =	vsub.f32 v9, v4;
	v25 =	vsub.f32 v11, v6  }
0x3b: {  	v26 =	vimm.f32 $-Inf;
	v24 =	vld [tilespmem:s7+$0xFFFFFFF0];
	v27 =	vsub.f32 v10, v5;
	v29 =	vsub.f32 v12, v4  }
0x3c: {  	v28 =	vimm.s32 $0x0;
	s31 =	simm.s32 $0x0;
	v32 =	vld [tilespmem:s6+$0xFFFFFFC0];
	v30 =	vsub.f32 v13, v5;
	v31 =	vsub.f32 v14, v6  }
0x3d: {  	s9 =	simm.s32 $0x40;
	v35 =	vld [tilespmem:s7+$0xFFFFFFC0];
	v39 =	vor.u32 s31, v3;
	v15 =	vsub.f32 v15, v4;
	v33 =	vsub.f32 v17, v6  }
0x3e: {  	s10 =	simm.s32 $0x30;
	v38 =	vld [tilespmem:s8+$0xFFFFFFC0];
	v7 =	vor.u32 s9, v3;
	v34 =	vsub.f32 v16, v5;
	v36 =	vsub.f32 v18, v4  }
0x3f: {  	v57 =	vld [tilespmem:s8+$0xFFFFFFE0];
	v8 =	vor.u32 s10, v3;
	v37 =	vsub.f32 v19, v5;
	v40 =	vsub.f32 v22, v6  }
0x40: {  	v10 =	vld [tilespmem:s6+$0xFFFFFFD0];
	v41 =	vsub.f32 v24, v4;
	v12 =	vmul.f32 v20, v20;
	v14 =	vmul.f32 v27, v27  }
0x41: {  	v24 =	vld [tilespmem:s7+$0xFFFFFFD0];
	v27 =	vsub.f32 v32, v6;
	v16 =	vmul.f32 v25, v25;
	v17 =	vmul.f32 v29, v29  }
0x42: {  	v20 =	vld [tilespmem:s8+$0xFFFFFFD0];
	v25 =	vsub.f32 v35, v4;
	v19 =	vmul.f32 v31, v31;
	v18 =	vmul.f32 v30, v30  }
0x43: {  	v13 =	vld [tilespmem:s7+$0xFFFFFFE0];
	v29 =	vsub.f32 v38, v5;
	v22 =	vmul.f32 v34, v34;
	v58 =	vmul.f32 v40, v40  }
0x44: {  	s29 =	simm.s32 $0x20;
	v32 =	vsub.f32 v57, v5;
	v62 =	vmul.f32 v41, v41;
	v25 =	vmul.f32 v25, v25  }
0x45: {  	v9 =	vor.u32 s29, v3;
	v30 =	vld [tilespmem:s8+$0xFFFFFFF0];
	v29 =	vmul.f32 v29, v29;
	v27 =	vmul.f32 v27, v27  }
0x46: {  	s6 =	simm.s32 $0x6040;
	v32 =	vmul.f32 v32, v32;
	v42 =	vsub.f32 v10, v6;
	v10 =	vmul.f32 v21, v21  }
0x47: {  	v31 =	vld [tilespmem:s6+$0xFFFFFFC0];
	v21 =	vmul.f32 v15, v15;
	v15 =	vsub.f32 v24, v4;
	v20 =	vsub.f32 v20, v5  }
0x48: {  	s30 =	simm.s32 $0x10;
	v43 =	vsub.f32 v13, v4;
	v13 =	vmul.f32 v23, v23;
	v25 =	vadd.f32 v29, v25  }
0x49: {  	v11 =	vor.u32 s30, v3;
	v59 =	vld [tilespmem:s6+$0xFFFFFFD0];
	v29 =	vmul.f32 v15, v15;
	v20 =	vmul.f32 v20, v20  }
0x4a: {  	v15 =	vld [tilespmem:s6+$0x30];
	v60 =	vmul.f32 v43, v43;
	v30 =	vsub.f32 v30, v5;
	v25 =	vadd.f32 v27, v25  }
0x4b: {  	v23 =	vmul.f32 v33, v33;
	v61 =	vmul.f32 v42, v42;
	v27 =	vld [tilespmem:s6+$0xFFFFFFE0];
	v29 =	vadd.f32 v20, v29  }
0x4c: {  	v32 =	vadd.f32 v32, v60;
	v30 =	vmul.f32 v30, v30;
	v63 =	vmin.f32 v31, v25;
	v25 =	vld [tilespmem:s6+$0x10]  }
0x4d: {  	v24 =	vmul.f32 v36, v36;
	v31 =	vmul.f32 v37, v37;
	v20 =	vld [tilespmem:s6+$0x20];
	v36 =	vadd.f32 v61, v29  }
0x4e: {  	vm0 =	vgt.f32 v63, v26;
	v32 =	vadd.f32 v58, v32;
	v33 =	vadd.f32 v30, v62;
	v29 =	vld [tilespmem:s6+$0xFFFFFFF0]  }
0x4f: {  	s11 =	simm.s32 $0x40C0;
	s9 =	simm.s32 $0x70;
	s10 =	simm.s32 $0x0;
	[tilespmem:s6+$0xFFFFFFC0] =	vst v63;
	v34 =	vsel vm0, v63, v26;
	v30 =	vsel vm0, v39, v28;
	v28 =	vld [tilespmem:s6+$0x0];
	v26 =	vmin.f32 v59, v36  }
.LBB2_5:
0x50: {  	v35 =	vld [tilespmem:s11+$0x30];
	[tilespmem:s6+$0xFFFFFFD0] =	vst v26;
	vm0 =	vgt.f32 v26, v34;
	v23 =	vadd.f32 v23, v33;
	v24 =	vadd.f32 v31, v24  }
0x51: {  	s7 =	sadd.s32 $0x80, s7;
	v31 =	vld [tilespmem:s11+$0x20];
	v26 =	vsel vm0, v26, v34;
	v11 =	vsel vm0, v11, v30;
	v27 =	vmin.f32 v27, v32  }
0x52: {  	v21 =	vadd.f32 v22, v21;
	s8 =	sadd.s32 $0x80, s8;
	v30 =	vld [tilespmem:s7+$0x30];
	[tilespmem:s6+$0xFFFFFFE0] =	vst v27;
	vm0 =	vgt.f32 v27, v26;
	v19 =	vadd.f32 v19, v24  }
0x53: {  	v22 =	vld [tilespmem:s8+$0x30];
	v24 =	vsel vm0, v27, v26;
	v9 =	vsel vm0, v9, v11;
	v11 =	vmin.f32 v29, v23  }
0x54: {  	v17 =	vadd.f32 v18, v17;
	v16 =	vadd.f32 v16, v21;
	v23 =	vld [tilespmem:s11+$0x10];
	[tilespmem:s6+$0xFFFFFFF0] =	vst v11;
	vm0 =	vgt.f32 v11, v24  }
0x55: {  	v18 =	vld [tilespmem:s7+$0x20];
	v11 =	vsel vm0, v11, v24;
	v8 =	vsel vm0, v8, v9;
	v9 =	vmin.f32 v28, v19  }
0x56: {  	v13 =	vadd.f32 v14, v13;
	v12 =	vadd.f32 v12, v17;
	v19 =	vld [tilespmem:s8+$0x20];
	[tilespmem:s6+$0x0] =	vst v9;
	vm0 =	vgt.f32 v9, v11  }
0x57: {  	s12 =	sadd.s32 $0xFFFFFFE0, s9;
	v14 =	vld [tilespmem:s11+$0x0];
	v9 =	vsel vm0, v9, v11;
	v7 =	vsel vm0, v7, v8;
	v8 =	vmin.f32 v25, v16  }
0x58: {  	v10 =	vadd.f32 v10, v13;
	v16 =	vor.u32 s12, v3;
	v11 =	vld [tilespmem:s7+$0x10];
	[tilespmem:s6+$0x10] =	vst v8;
	vm0 =	vgt.f32 v8, v9  }
0x59: {  	s12 =	sadd.s32 $0xFFFFFFF0, s9;
	v13 =	vld [tilespmem:s8+$0x10];
	v8 =	vsel vm0, v8, v9;
	v7 =	vsel vm0, v16, v7;
	v9 =	vmin.f32 v20, v12  }
0x5a: {  	v17 =	vor.u32 s9, v3;
	v16 =	vor.u32 s12, v3;
	v12 =	vld [tilespmem:s11+$0xFFFFFFF0];
	[tilespmem:s6+$0x20] =	vst v9;
	vm0 =	vgt.f32 v9, v8  }
0x5b: {  	v20 =	vld [tilespmem:s7+$0x0];
	v8 =	vsel vm0, v9, v8;
	v7 =	vsel vm0, v16, v7;
	v9 =	vmin.f32 v15, v10  }
0x5c: {  	v15 =	vsub.f32 v31, v6;
	v16 =	vsub.f32 v35, v6;
	v10 =	vld [tilespmem:s8+$0x0];
	[tilespmem:s6+$0x30] =	vst v9;
	vm0 =	vgt.f32 v9, v8  }
0x5d: {  	v24 =	vsub.f32 v30, v4;
	s9 =	sadd.s32 $0x80, s9;
	v21 =	vld [tilespmem:s11+$0xFFFFFFE0];
	v26 =	vsel vm0, v9, v8;
	v28 =	vsel vm0, v17, v7  }
0x5e: {  	v22 =	vsub.f32 v22, v5;
	s12 =	sadd.s32 $0xFFFFFFD0, s9;
	v23 =	vsub.f32 v23, v6;
	v17 =	vld [tilespmem:s7+$0xFFFFFFF0]  }
0x5f: {  	s13 =	sadd.s32 $0xFFFFFFC0, s9;
	v18 =	vsub.f32 v18, v4;
	v27 =	vsub.f32 v19, v5;
	v7 =	vor.u32 s12, v3;
	v25 =	vld [tilespmem:s11+$0xFFFFFFD0]  }
0x60: {  	v29 =	vsub.f32 v14, v6;
	s12 =	sadd.s32 $0xFFFFFFB0, s9;
	v8 =	vor.u32 s13, v3;
	v30 =	vsub.f32 v11, v4;
	v19 =	vld [tilespmem:s7+$0xFFFFFFE0]  }
0x61: {  	s13 =	sadd.s32 $0xFFFFFFA0, s9;
	v9 =	vor.u32 s12, v3;
	v33 =	vsub.f32 v13, v5;
	v32 =	vsub.f32 v12, v6;
	v31 =	vld [tilespmem:s11+$0xFFFFFFC0]  }
0x62: {  	s12 =	sadd.s32 $0xFFFFFF90, s9;
	v11 =	vor.u32 s13, v3;
	v20 =	vsub.f32 v20, v4;
	v35 =	vsub.f32 v10, v5;
	v34 =	vld [tilespmem:s7+$0xFFFFFFC0]  }
0x63: {  	s10 =	sadd.s32 $0x8, s10;
	v37 =	vor.u32 s12, v3;
	v38 =	vsub.f32 v21, v6;
	v36 =	vld [tilespmem:s8+$0xFFFFFFC0];
	v39 =	vsub.f32 v17, v4  }
0x64: {  	p0 =	slt.u32 s10, $0x1F8;
	v12 =	vmul.f32 v15, v15;
	v10 =	vmul.f32 v16, v16;
	v40 =	vld [tilespmem:s7+$0xFFFFFFD0];
	v25 =	vsub.f32 v25, v6  }
0x65: {  	v14 =	vmul.f32 v22, v22;
	v13 =	vmul.f32 v24, v24;
	v15 =	vld [tilespmem:s8+$0xFFFFFFD0];
	v41 =	vsub.f32 v19, v4  }
0x66: {  	v16 =	vmul.f32 v23, v23;
	v17 =	vmul.f32 v18, v18;
	v31 =	vsub.f32 v31, v6;
	v42 =	vld [tilespmem:s8+$0xFFFFFFE0]  }
0x67: {  	v18 =	vmul.f32 v27, v27;
	v19 =	vmul.f32 v29, v29;
	v34 =	vsub.f32 v34, v4  }
0x68: {  	v22 =	vmul.f32 v33, v33;
	v21 =	vmul.f32 v30, v30;
	v27 =	vsub.f32 v36, v5;
	v29 =	vld [tilespmem:s8+$0xFFFFFFF0]  }
0x69: {  	v23 =	vmul.f32 v32, v32;
	v24 =	vmul.f32 v20, v20;
	v30 =	vsub.f32 v40, v4  }
0x6a: {  	s6 =	sadd.s32 $0x80, s6;
	v20 =	vmul.f32 v34, v34;
	v27 =	vmul.f32 v27, v27;
	v15 =	vsub.f32 v15, v5  }
0x6b: {  	v31 =	vmul.f32 v31, v31;
	v34 =	vmul.f32 v38, v38;
	v32 =	vld [tilespmem:s6+$0xFFFFFFC0];
	v33 =	vsub.f32 v42, v5  }
0x6c: {  	v20 =	vadd.f32 v27, v20;
	v27 =	vmul.f32 v30, v30;
	v30 =	vmul.f32 v15, v15;
	v15 =	vld [tilespmem:s6+$0x30]  }
0x6d: {  	v38 =	vmul.f32 v41, v41;
	v36 =	vld [tilespmem:s6+$0xFFFFFFD0];
	v33 =	vmul.f32 v33, v33;
	v29 =	vsub.f32 v29, v5  }
.Ltmp2:
0x6e: {  	v25 =	vmul.f32 v25, v25;
	v31 =	vadd.f32 v31, v20;
	v30 =	vadd.f32 v30, v27;
	v20 =	vld [tilespmem:s6+$0x20];
	(pc) =	sbr.rel @p0 .LBB2_5-.Ltmp2, $4  }
0x6f: {  	v33 =	vadd.f32 v33, v38;
	v27 =	vld [tilespmem:s6+$0xFFFFFFE0];
	v38 =	vmul.f32 v39, v39;
	v29 =	vmul.f32 v29, v29  }
0x70: {  	v39 =	vmin.f32 v32, v31;
	v40 =	vadd.f32 v25, v30;
	v31 =	vmul.f32 v35, v35;
	v25 =	vld [tilespmem:s6+$0x10]  }
0x71: {  	[tilespmem:s6+$0xFFFFFFC0] =	vst v39;
	vm0 =	vgt.f32 v39, v26;
	v32 =	vadd.f32 v34, v33;
	v33 =	vadd.f32 v29, v38;
	v29 =	vld [tilespmem:s6+$0xFFFFFFF0]  }
0x72: {  	s11 =	sadd.s32 $0x80, s11;
	v34 =	vsel vm0, v39, v26;
	v30 =	vsel vm0, v37, v28;
	v26 =	vmin.f32 v36, v40;
	v28 =	vld [tilespmem:s6+$0x0]  }
0x73: {  	vm0 =	vgt.f32 v26, v34;
	v4 =	vadd.f32 v31, v24  }
0x74: {  	v5 =	vadd.f32 v23, v33;
	v6 =	vsel vm0, v26, v34;
	v60 =	vmin.f32 v27, v32  }
0x75: {  	v61 =	vadd.f32 v22, v21;
	vm1 =	vgt.f32 v60, v6  }
0x76: {  	v4 =	vadd.f32 v19, v4;
	v6 =	vsel vm1, v60, v6;
	v5 =	vmin.f32 v29, v5  }
0x77: {  	v17 =	vadd.f32 v18, v17;
	vm2 =	vgt.f32 v5, v6  }
0x78: {  	v16 =	vadd.f32 v16, v61;
	v4 =	vmin.f32 v28, v4;
	v6 =	vsel vm2, v5, v6  }
0x79: {  	v13 =	vadd.f32 v14, v13;
	vm3 =	vgt.f32 v4, v6  }
0x7a: {  	v12 =	vadd.f32 v12, v17;
	v62 =	vmin.f32 v25, v16;
	v6 =	vsel vm3, v4, v6  }
0x7b: {  	vm4 =	vgt.f32 v62, v6  }
0x7c: {  	v10 =	vadd.f32 v10, v13;
	v12 =	vmin.f32 v20, v12;
	v6 =	vsel vm4, v62, v6  }
0x7d: {  	vm5 =	vgt.f32 v12, v6  }
0x7e: {  	v10 =	vmin.f32 v15, v10;
	v6 =	vsel vm5, v12, v6  }
0x7f: {  	vm6 =	vgt.f32 v10, v6  }
0x80: {  	v6 =	vsel vm6, v10, v6  }
0x81: {  	(xrf0) =	vmax.scan.msk.f32 $0xffff, v6;
	_ =	sdelay $0x1  }
0x82: {  	v11 =	vsel vm0, v11, v30  }
0x83: {  	v9 =	vsel vm1, v9, v11  }
0x84: {  	s7 =	sadd.s32 $0xFFFFFFE0, s9;
	v8 =	vsel vm2, v8, v9  }
0x85: {  	s25 =	sadd.s32 $0xFFFFFFF0, s9;
	v7 =	vsel vm3, v7, v8;
	v8 =	vor.u32 s7, v3  }
0x86: {  	v7 =	vsel vm4, v8, v7;
	v8 =	vor.u32 s25, v3;
	v63, _, _ =	vpop (xrf0)  }
0x87: {  	v7 =	vsel vm5, v8, v7;
	v8 =	vor.u32 s9, v3;
	v9 =	vbroadcast v63, $0xF  }
0x88: {  	v7 =	vsel vm6, v8, v7  }
0x89: {  	vm13 =	veq.f32 v6, v9;
	v6 =	vxor.u32 $0x80000000, v7  }
0x8a: {  	v6 =	vnsel vm13, $0xC0000000, v6  }
0x8b: {  	(xrf0) =	vmin.scan.msk.u32 $0xffff, v6;
	_ =	sdelay $0x5  }
0x8c: {  	v6, _, _ =	vpop (xrf0)  }
0x8d: {  	(v2sf) =	vpush v6, $0xF;
	_ =	sdelay $0xe  }
0x8e: {  	s26 =	spop (v2sf)  }
0x8f: {  	s8 =	sxor.u32 $0x80000000, s26  }
0x90: {  	[tilespmem:s6+$0xFFFFFFD0] =	vst v26;
	p1 =	sgt.s32 s26, $0xFFFFFFFF;
	s7 =	sand.u32 $0xF, s26;
	p0 =	slt.s32 s8, $0x1  }
0x91: {  	[tilespmem:s6+$0xFFFFFFE0] =	vst v60;
	s28 =	sshra.s32 s8, $0x1F;
	p6 =	sne.s32 s7, $0x0;
	p0 =	por p1, p0  }
0x92: {  	[tilespmem:s6+$0xFFFFFFF0] =	vst v5;
	s29 =	sshrl.u32 s28, $0x1C;
	p0 =	por !p6, !p0  }
0x93: {  	[tilespmem:s6+$0x0] =	vst v4;
	s9 =	simm.s32 $0x1;
	s7 =	sadd.s32 s29, s8;
	p0 =	por !p0, !p0  }
0x94: {  	[tilespmem:s6+$0x10] =	vst v62;
	s7 =	sshrl.u32 s7, $0x4;
	s9 =	simm.s32 @!p0 $0x0  }
0x95: {  	[tilespmem:s6+$0x20] =	vst v12;
	s7 =	ssub.s32 s7, s9  }
0x96: {  	[tilespmem:s6+$0x30] =	vst v10;
	s30 =	sshll.u32 s7, $0x4  }
0x97: {  	v4 =	vld [tilespmem:s30+$0x0]  }
0x98: {  	v5 =	vld [tilespmem:s30+$0x2000]  }
0x99: {  	s7 =	ssub.s32 s8, s30;
	v6 =	vld [tilespmem:s30+$0x4000]  }
0x9a: {  	v7 =	vmov s7  }
0x9b: {  	vm14 =	veq.s32 v7, v3  }
0x9c: {  	v4 =	vnsel vm14, $0x0, v4  }
0x9d: {  	(xrf2) =	vadd.scan.msk.f32 $0xffff, v4;
	v4 =	vnsel vm14, $0x0, v5  }
0x9e: {  	(xrf2) =	vadd.scan.msk.f32 $0xffff, v4;
	v4 =	vnsel vm14, $0x0, v6  }
0x9f: {  	(xrf2) =	vadd.scan.msk.f32 $0xffff, v4;
	_ =	sdelay $0x5  }
0xa0: {  	s31 =	sand.u32 $0xF, s5  }
0xa1: {  	p0 =	sne.s32 s31, $0xF  }
0xa2: {  	s6 =	sand.u32 @!p0 $0x7F0, s5;
	s5 =	sadd.s32 $0x1, s5;
	v4, _, _ =	vpop (xrf2)  }
0xa3: {  	p1 =	sne.s32 s5, $0x800;
	v6 =	vmov s31;
	v5, _, _ =	vpop (xrf2);
	v4 =	vbroadcast v4, $0xF  }
.Ltmp3:
0xa4: {  	vm15 =	veq.s32 v6, v3;
	v5 =	vbroadcast v5, $0xF;
	v7, _, _ =	vpop (xrf2);
	(pc) =	sbr.rel @p1 .LBB2_4-.Ltmp3, $4  }
0xa5: {  	v6 =	vbroadcast v7, $0xF;
	v0 =	vsel vm15, v4, v0  }
0xa6: {  	v1 =	vsel vm15, v5, v1;
	[tilespmem:s6+$0x8000] =	vst @!p0 v0  }
0xa7: {  	v2 =	vsel vm15, v6, v2;
	[tilespmem:s6+$0x8800] =	vst @!p0 v1  }
0xa8: {  	[tilespmem:s6+$0x9000] =	vst @!p0 v2  }
0xa9: {  	s5 =	simm.s32 $0x0;
	s6 =	simm.s32 $0x8000;
	s29 =	simm.s32 $0x1  }
0xaa: {  	[hbm4b:s2+s5] =	stream.linear.scatter [tilespmem:s6], [sflag:$0x1], $0x800, $0x38;
	[tilespmem:$0x9800] =	vst v63  }
0xab: {  	_ =	swait.ge [sflag:s29], $0x800  }
0xac: {  	[sflag:s29] =	ssyncset.done $0x0  }
0xad: {  	s30 =	simm.s32 $0x8800;
	[sflag:s29] =	ssyncadd.s32 $0xFFFFF800  }
0xae: {  	[hbm4b:s4+s5] =	stream.linear.scatter [tilespmem:s30], [sflag:$0x1], $0x800, $0x38;
	[tilespmem:$0x9800] =	vst v63  }
0xaf: {  	_ =	swait.ge [sflag:s29], $0x800  }
0xb0: {  	[sflag:s29] =	ssyncset.done $0x0  }
0xb1: {  	s31 =	simm.s32 $0x9000;
	[sflag:s29] =	ssyncadd.s32 $0xFFFFF800  }
0xb2: {  	[hbm4b:s3+s5] =	stream.linear.scatter [tilespmem:s31], [sflag:$0x1], $0x800, $0x38;
	[tilespmem:$0x9800] =	vst v63  }
0xb3: {  	_ =	swait.ge [sflag:s29], $0x800  }
0xb4: {  	[sflag:s29] =	ssyncset.done $0x0  }
0xb5: {  	[sflag:s29] =	ssyncadd.s32 $0xFFFFF800  }
.LBB2_8:
0xb6: {  	_ =	sfence.sel $0x180000  }
0xb7: {  	[bflag:$0x0] =	sbarrier.arrive $0xFFFF  }
0xb8: {  	p0 =	sne.s32 s1, $0x0;
	_ =	strace $0x90000047  }
0xb9: {  	s0 =	sadd.s32 @!p0 $0x100000, s0;
	[bflag:$0x2] =	sbarrier.arrive $0xFFFF  }
0xba: {  	[sflag:s0] =	ssyncadd.tile.s32 @!p0 $0x1;
	_ =	shalt  }
.Lfunc_end2:
_tile_overlayer_lowered:
.L_overlay_start_2:
0xbb: {  	(tag) =	ssettag $0x2  }
0xbc: {  	s0 =	rddreg [dreg:$0x0];
	s2 =	stileid.u32  }
0xbd: {  	s1 =	rddreg [dreg:$0x1];
	p0 =	sne.s32 s2, $0x0  }
0xbe: {  	s3 =	rddreg [dreg:$0x2];
	[bflag:$0x3] =	sbarrier.arrive $0xFFFF;
	s2 =	simm.s32 @!p0 $0x1C01  }
0xbf: {  	[timem:s3], [sflag:s2] =	dma.local @!p0 [hbm:s0], s1  }
0xc0: {  	s0 =	simm.s32 @!p0 $0x1  }
0xc1: {  	_ =	swait.ge @!p0 [sflag:s0], s1  }
0xc2: {  	s1 =	ssub.s32 @!p0 $0x0, s1;
	[sflag:s0] =	ssyncset.done @!p0 $0x0  }
0xc3: {  	[sflag:s0] =	ssyncadd.s32 @!p0 s1  }
0xc4: {  	[bflag:$0x3] =	sbarrier.arrive $0xFFFF  }
0xc5: {  	_ =	shalt  }

</sc_bundles>
